<compile_context>
chip_gen: v7x
topology: tpu7x:2x2x1
jax: 0.10.2.dev20260603
libtpu: 0.0.44.dev20260713+nightly
codegen_flags: <defaults>
</compile_context>

<pallas_src>
import functools

import jax
import jax.numpy as jnp
import numpy as np
from jax import lax
from jax.experimental import pallas as pl
from jax.experimental.pallas import tpu as pltpu
from jax.experimental.pallas import tpu_sc as plsc

_NUM_BINS = 48
_D = 16
_NCAT = 26
_NNUM = 13
_VOCAB = 100000
_B = 16384
_H1, _H2 = 128, 64
_NR = _NNUM * (_NUM_BINS - 2)
_NRP = 608
_NC, _NS = 2, 16
_NW = _NC * _NS
_NFP = 32
_PACK = _NCAT * _VOCAB // 8
_SLICE = 4000
_NSLICE = _NCAT * _VOCAB // _SLICE
_CB = 16
_NCHUNK = 512 // _CB

_MESH = dict(core_axis_name="c", subcore_axis_name="s")
_SUB = 128
_NSUB = 16
_CH = _SUB * _NSUB
_NCHUNKG = 8


def _sc_gather(table2d, categorical, nb):

    @functools.partial(
        pl.kernel, mesh=plsc.VectorSubcoreMesh(**_MESH),
        compiler_params=pltpu.CompilerParams(use_tc_tiling_on_sc=False,
                                             needs_layout_passes=False),
        out_type=jax.ShapeDtypeStruct((nb * _NFP * _D // 128, 128), jnp.float32),
        scratch_types=[
            pltpu.VMEM((64, _NCAT), jnp.int32),
            pltpu.VMEM((_NSUB, _SUB), jnp.int32),
            pltpu.VMEM((_CH, _D), jnp.float32),
            pltpu.VMEM((_CH * _D // 128, 128), jnp.float32),
            pltpu.SemaphoreType.DMA,
        ],
    )
    def gather_k(table_hbm, cat_hbm, out_hbm, nat_v, idx_v, rows_v, rows2_v, sem):
        wid = lax.axis_index("s") * _NC + lax.axis_index("c")
        nbw = nb // _NW
        i32 = jnp.int32
        lane = lax.iota(i32, 16)
        s_pat = lax.shift_right_logical(lane, 3)
        f_pat = lax.bitwise_and(lane, 7)

        def chunk(c, carry):
            b0 = wid * nbw + c * 64
            pltpu.sync_copy(cat_hbm.at[pl.ds(b0, 64)], nat_v)

            def permute(n, carry2):
                i_loc = lax.shift_right_logical(n, 4)
                j = lax.bitwise_and(lax.shift_right_logical(n, 2), 3)
                s_hi = lax.bitwise_and(n, 3) * 2
                row = jnp.full((16,), 8 * i_loc + s_hi, i32) + s_pat
                col = jnp.full((16,), 8 * j, i32) + f_pat
                valid = col < _NCAT
                col_c = jnp.minimum(col, _NCAT - 1)
                g = plsc.load_gather(nat_v, [row, col_c]) + col * _VOCAB
                bvec = row + b0
                padv = bvec * (_NFP - _NCAT) + (col - _NCAT)
                val = jnp.where(valid, g, padv)
                idx_v[lax.shift_right_logical(n, 3),
                      pl.ds(lax.bitwise_and(n, 7) * 16, 16)] = val
                return carry2

            lax.fori_loop(0, 128, permute, 0)
            descs = [
                pltpu.async_copy(table_hbm.at[idx_v.at[k]],
                                 rows_v.at[pl.ds(k * _SUB, _SUB)], sem)
                for k in range(_NSUB)
            ]
            for d_ in descs:
                d_.wait()

            def repack(rr, carry3):
                for dr in range(8):
                    r = rr * 8 + dr
                    rows2_v[rr, pl.ds(dr * 16, 16)] = rows_v[r]
                return carry3

            lax.fori_loop(0, _CH * _D // 128, repack, 0)
            nrow = _CH * _D // 128
            pltpu.sync_copy(
                rows2_v,
                out_hbm.at[pl.ds((wid * (nbw // 64) + c) * nrow, nrow)])
            return carry

        lax.fori_loop(0, nbw // 64, chunk, 0)

    return gather_k(table2d, categorical)


def _mlp(num_p, gath, Ep, cvec, igvec, W1c, G, W1n, b1p, W2, b2, W3, b3, nb):
    bm = 2048
    f32 = jnp.float32

    def body(num_ref, gath_ref, e_ref, c_ref, ig_ref, w1c_ref, g_ref, w1n_ref,
             b1_ref, w2_ref, b2_ref, w3_ref, b3_ref, out_ref):
        v = num_ref[...]
        vb = lax.dot(v, e_ref[...], precision=lax.Precision.HIGHEST)
        r = jnp.clip((vb - c_ref[...]) * ig_ref[...], 0.0, 1.0)
        g4 = gath_ref[...].reshape(bm // 8, 4, 8, 128)
        h = jnp.dot(g4[:, 0].reshape(bm, 128), w1c_ref[0],
                    preferred_element_type=f32)
        for j in range(1, 4):
            h = h + jnp.dot(g4[:, j].reshape(bm, 128), w1c_ref[j],
                            preferred_element_type=f32)
        h = h + jnp.dot(r, g_ref[...], preferred_element_type=f32)
        h = h + jnp.dot(v, w1n_ref[...], preferred_element_type=f32)
        h = jnp.maximum(h + b1_ref[...], 0.0)
        h2 = jnp.maximum(
            jnp.dot(h, w2_ref[...], preferred_element_type=f32) + b2_ref[...], 0.0)
        out_ref[...] = jnp.dot(h2, w3_ref[...], preferred_element_type=f32) + b3_ref[...]

    return pl.pallas_call(
        body,
        grid=(nb // bm,),
        in_specs=[
            pl.BlockSpec((bm, 16), lambda i: (i, 0)),
            pl.BlockSpec((bm * 4, 128), lambda i: (i, 0)),
            pl.BlockSpec((16, _NRP), lambda i: (0, 0)),
            pl.BlockSpec((1, _NRP), lambda i: (0, 0)),
            pl.BlockSpec((1, _NRP), lambda i: (0, 0)),
            pl.BlockSpec((4, 128, _H1), lambda i: (0, 0, 0)),
            pl.BlockSpec((_NRP, _H1), lambda i: (0, 0)),
            pl.BlockSpec((16, _H1), lambda i: (0, 0)),
            pl.BlockSpec((1, _H1), lambda i: (0, 0)),
            pl.BlockSpec((_H1, _H2), lambda i: (0, 0)),
            pl.BlockSpec((1, _H2), lambda i: (0, 0)),
            pl.BlockSpec((_H2, 1), lambda i: (0, 0)),
            pl.BlockSpec((1, 1), lambda i: (0, 0)),
        ],
        out_specs=pl.BlockSpec((bm, 1), lambda i: (i, 0)),
        out_shape=jax.ShapeDtypeStruct((nb, 1), f32),
    )(num_p, gath, Ep, cvec, igvec, W1c, G, W1n, b1p, W2, b2, W3, b3)


def _e_matrix():
    e = np.zeros((16, _NRP), np.float32)
    for f in range(_NNUM):
        e[f, f * 46:(f + 1) * 46] = 1.0
    return jnp.asarray(e)


def kernel(numerical, categorical, cat_tables, num_tables, W1, b1, W2, b2, W3, b3):
    f32 = jnp.float32
    q = jnp.linspace(0.0, 1.0, _NUM_BINS + 1)[1:-1]
    bnd = (jnp.sqrt(2.0) * jax.scipy.special.erfinv(2.0 * q - 1.0)).astype(f32)
    c46 = bnd[:-1]
    ig46 = 1.0 / (bnd[1:] - bnd[:-1] + 1e-8)
    cvec = jnp.zeros((1, _NRP), f32).at[0, :_NR].set(jnp.tile(c46, _NNUM))
    igvec = jnp.zeros((1, _NRP), f32).at[0, :_NR].set(jnp.tile(ig46, _NNUM))
    Ep = _e_matrix()
    W1num = W1[_NNUM + _NCAT * _D:, :].reshape(_NNUM, _D, _H1)
    dT = num_tables[:, 2:, :] - num_tables[:, 1:-1, :]
    G = jnp.einsum('fkd,fdh->fkh', dT, W1num).reshape(_NR, _H1)
    G = jnp.concatenate([G, jnp.zeros((_NRP - _NR, _H1), f32)], axis=0)
    base = jnp.einsum('fd,fdh->h', num_tables[:, 1, :], W1num)
    b1p = (b1 + base).reshape(1, _H1)
    W1n = jnp.concatenate([W1[:_NNUM], jnp.zeros((3, _H1), f32)], axis=0)
    W1c = jnp.concatenate(
        [W1[_NNUM:_NNUM + _NCAT * _D],
         jnp.zeros(((_NFP - _NCAT) * _D, _H1), f32)], axis=0).reshape(4, 128, _H1)
    num_p = jnp.concatenate([numerical, jnp.zeros((_B, 3), f32)], axis=1)
    table2d = cat_tables.reshape(_NCAT * _VOCAB, _D)
    cat32 = categorical.astype(jnp.int32)
    hb = _B // 2
    outs = []
    for h in range(2):
        gath = _sc_gather(table2d, cat32[h * hb:(h + 1) * hb], hb)
        outs.append(_mlp(num_p[h * hb:(h + 1) * hb], gath, Ep, cvec, igvec,
                         W1c, G, W1n, b1p, W2, b2.reshape(1, _H2), W3,
                         b3.reshape(1, 1), hb))
    return jnp.concatenate(outs, axis=0)

# --- scband reference (transcript-rebuilt; emitter-appended) ---
"""Pipeline reference for scband-ctrmodel-19267223290407 (READ-ONLY COPY).

The authoritative reference and input builder live on the scoring server;
editing this copy changes nothing except your own understanding.
"""

import jax, jax.numpy as jnp
import numpy as np

NUM_BINS = 48
EMBEDDING_DIM = 16
NUM_CAT = 26
NUM_NUM = 13
VOCAB = 100000
HIDDEN_DIMS = [128, 64]
INPUT_DIM = NUM_NUM + NUM_CAT * EMBEDDING_DIM + NUM_NUM * EMBEDDING_DIM  # 637
BATCH = 16384


def setup_inputs(seed: int = 0) -> dict:
    key = jax.random.key(seed)
    ks = jax.random.split(key, 12)
    numerical = jax.random.normal(ks[0], (BATCH, NUM_NUM), dtype=jnp.float32)
    categorical = jax.random.randint(ks[1], (BATCH, NUM_CAT), 0, VOCAB, dtype=jnp.int64 if jax.config.jax_enable_x64 else jnp.int32)
    cat_tables = jax.random.normal(ks[2], (NUM_CAT, VOCAB, EMBEDDING_DIM), dtype=jnp.float32) * 0.05
    num_tables = jax.random.normal(ks[3], (NUM_NUM, NUM_BINS, EMBEDDING_DIM), dtype=jnp.float32) * 0.05
    W1 = jax.random.normal(ks[4], (INPUT_DIM, HIDDEN_DIMS[0]), dtype=jnp.float32) * (1.0 / np.sqrt(INPUT_DIM))
    b1 = jnp.zeros((HIDDEN_DIMS[0],), dtype=jnp.float32)
    W2 = jax.random.normal(ks[5], (HIDDEN_DIMS[0], HIDDEN_DIMS[1]), dtype=jnp.float32) * (1.0 / np.sqrt(HIDDEN_DIMS[0]))
    b2 = jnp.zeros((HIDDEN_DIMS[1],), dtype=jnp.float32)
    W3 = jax.random.normal(ks[6], (HIDDEN_DIMS[1], 1), dtype=jnp.float32) * (1.0 / np.sqrt(HIDDEN_DIMS[1]))
    b3 = jnp.zeros((1,), dtype=jnp.float32)
    return {"numerical": numerical, "categorical": categorical, "cat_tables": cat_tables,
            "num_tables": num_tables, "W1": W1, "b1": b1, "W2": W2, "b2": b2, "W3": W3, "b3": b3}


def _bin_boundaries():
    quantiles = jnp.linspace(0.0, 1.0, NUM_BINS + 1)[1:-1]
    return jnp.sqrt(2.0) * jax.scipy.special.erfinv(2.0 * quantiles - 1.0)


def reference(numerical, categorical, cat_tables, num_tables, W1, b1, W2, b2, W3, b3):
    B = numerical.shape[0]
    boundaries = _bin_boundaries().astype(jnp.float32)
    # categorical embedding lookup (eval mode: dropout is identity)
    field_idx = jnp.arange(NUM_CAT)[None, :]
    cat_embedded = cat_tables[field_idx, categorical]            # [B, 26, 16]
    cat_embedded = cat_embedded.reshape(B, NUM_CAT * EMBEDDING_DIM)
    # numerical binning (torch.bucketize right=False == searchsorted side='left')
    bin_indices = jnp.searchsorted(boundaries, numerical, side='left')
    bin_lo = jnp.minimum(bin_indices, NUM_BINS - 2)
    bin_hi = bin_lo + 1
    all_bounds = jnp.concatenate([jnp.array([-1000000.0], dtype=jnp.float32), boundaries,
                                  jnp.array([1000000.0], dtype=jnp.float32)])
    lo_val = all_bounds[bin_lo]
    hi_val = all_bounds[bin_hi]
    weight = jnp.clip((numerical - lo_val) / (hi_val - lo_val + 1e-08), 0.0, 1.0)
    nfield_idx = jnp.arange(NUM_NUM)[None, :]
    emb_lo = num_tables[nfield_idx, bin_lo]                      # [B, 13, 16]
    emb_hi = num_tables[nfield_idx, bin_hi]                      # [B, 13, 16]
    w = weight[..., None]
    num_embedded = ((1.0 - w) * emb_lo + w * emb_hi).reshape(B, NUM_NUM * EMBEDDING_DIM)
    x = jnp.concatenate([numerical, cat_embedded, num_embedded], axis=-1)
    h = jax.nn.relu(x @ W1 + b1)
    h = jax.nn.relu(h @ W2 + b2)
    out = h @ W3 + b3
    return out


if False:  # reference __main__ guard neutralized (emitter)
    inp = setup_inputs()
    o = reference(**inp)
    print(o.shape)

if __name__ == "__main__":
    import jax
    _d = setup_inputs()
    print(jax.jit(kernel)(*tuple(_d.values())))

</pallas_src>

<mosaic_0001>
#map = affine_map<(d0, d1) -> (0, 0)>
module attributes {stable_mosaic.version = 14 : i64} {
  func.func @gather_k(%arg0: i32, %arg1: i32, %arg2: memref<2600000x16xf32, #tpu.memory_space<hbm>>, %arg3: memref<8192x26xi32, #tpu.memory_space<hbm>>, %arg4: memref<32768x128xf32, #tpu.memory_space<hbm>>, %arg5: memref<64x26xi32, #tpu.memory_space<vmem>>, %arg6: memref<16x128xi32, #tpu.memory_space<vmem>>, %arg7: memref<2048x16xf32, #tpu.memory_space<vmem>>, %arg8: memref<256x128xf32, #tpu.memory_space<vmem>>, %arg9: memref<!tpu.dma_semaphore, #tpu.memory_space<semaphore_mem>>) attributes {dimension_semantics = [#tpu.dimension_semantics<core_parallel>, #tpu.dimension_semantics<subcore_parallel>], iteration_bounds = array<i64: 2, 16>, scalar_prefetch = 0 : i64, scratch_operands = 5 : i64, tpu.core_type = #tpu.core_type<sc_vector_subcore>, window_params = [{transform_indices = #map}, {transform_indices = #map}, {transform_indices = #map}]} {
    %mul3A = arith.constant 2 : i32
    %mul3A_0 = arith.muli %arg1, %mul3A : i32
    %add3A = arith.addi %mul3A_0, %arg0 : i32
    %iota3A = tpu.iota {dimensions = array<i32: 0>} : vector<16xi32>
    %shift_right_logical3A = arith.constant 3 : i32
    %shift_right_logical3A_1 = vector.broadcast %shift_right_logical3A : i32 to vector<16xi32>
    %shift_right_logical3A_2 = arith.shrui %iota3A, %shift_right_logical3A_1 : vector<16xi32>
    %and3A = arith.constant 7 : i32
    %and3A_3 = vector.broadcast %and3A : i32 to vector<16xi32>
    %and3A_4 = arith.andi %iota3A, %and3A_3 : vector<16xi32>
    %scan3A = arith.constant 0 : i32
    %scan3A_5 = arith.constant 0 : i32
    %scan3A_6 = arith.constant 4 : i32
    %scan3A_7 = arith.addi %scan3A_5, %scan3A_6 : i32
    %scan3A_8 = arith.constant 1 : i32
    scf.for %scan3A_10 = %scan3A_5 to %scan3A_7 step %scan3A_8  : i32 {
      %mul3A_11 = arith.constant 256 : i32
      %mul3A_12 = arith.muli %add3A, %mul3A_11 : i32
      %mul3A_13 = arith.constant 64 : i32
      %mul3A_14 = arith.muli %scan3A_10, %mul3A_13 : i32
      %add3A_15 = arith.addi %mul3A_12, %mul3A_14 : i32
      "tpu.region"() ({
        %run_scoped3A = tpu.sem_alloc : memref<!tpu.dma_semaphore, #tpu.memory_space<semaphore_mem>>
        %dma_start3A_351 = arith.constant 0 : i32
        %dma_start3A_352 = tpu.memref_slice %arg3[%add3A_15, %dma_start3A_351] : memref<8192x26xi32, #tpu.memory_space<hbm>> -> memref<64x26xi32, #tpu.memory_space<hbm>>
        %dma_start3A_353 = arith.constant 0 : i32
        %dma_start3A_354 = tpu.memref_slice %arg3[%add3A_15, %dma_start3A_353] : memref<8192x26xi32, #tpu.memory_space<hbm>> -> memref<64x26xi32, #tpu.memory_space<hbm>>
        tpu.enqueue_dma source(%dma_start3A_354 : memref<64x26xi32, #tpu.memory_space<hbm>>) target(%arg5 : memref<64x26xi32, #tpu.memory_space<vmem>>) target_semaphore(%run_scoped3A : memref<!tpu.dma_semaphore, #tpu.memory_space<semaphore_mem>>)
        %dma_wait3A_355 = arith.constant 0 : i32
        %dma_wait3A_356 = tpu.memref_slice %arg3[%add3A_15, %dma_wait3A_355] : memref<8192x26xi32, #tpu.memory_space<hbm>> -> memref<64x26xi32, #tpu.memory_space<hbm>>
        %dma_wait3A_357 = arith.constant 0 : i32
        %dma_wait3A_358 = tpu.memref_slice %arg3[%add3A_15, %dma_wait3A_357] : memref<8192x26xi32, #tpu.memory_space<hbm>> -> memref<64x26xi32, #tpu.memory_space<hbm>>
        tpu.wait_dma2 semaphore(%run_scoped3A : memref<!tpu.dma_semaphore, #tpu.memory_space<semaphore_mem>>) src(%dma_wait3A_358 : memref<64x26xi32, #tpu.memory_space<hbm>>) dst(%arg5 : memref<64x26xi32, #tpu.memory_space<vmem>>)
        tpu.yield
      }) : () -> ()
      %scan3A_16 = arith.constant 0 : i32
      %scan3A_17 = arith.constant 0 : i32
      %scan3A_18 = arith.constant 128 : i32
      %scan3A_19 = arith.addi %scan3A_17, %scan3A_18 : i32
      %scan3A_20 = arith.constant 1 : i32
      scf.for %scan3A_351 = %scan3A_17 to %scan3A_19 step %scan3A_20  : i32 {
        %shift_right_logical3A_352 = arith.constant 4 : i32
        %shift_right_logical3A_353 = arith.shrui %scan3A_351, %shift_right_logical3A_352 : i32
        %shift_right_logical3A_354 = arith.constant 2 : i32
        %shift_right_logical3A_355 = arith.shrui %scan3A_351, %shift_right_logical3A_354 : i32
        %and3A_356 = arith.constant 3 : i32
        %and3A_357 = arith.andi %shift_right_logical3A_355, %and3A_356 : i32
        %and3A_358 = arith.constant 3 : i32
        %and3A_359 = arith.andi %scan3A_351, %and3A_358 : i32
        %mul3A_360 = arith.constant 2 : i32
        %mul3A_361 = arith.muli %and3A_359, %mul3A_360 : i32
        %mul3A_362 = arith.constant 8 : i32
        %mul3A_363 = arith.muli %mul3A_362, %shift_right_logical3A_353 : i32
        %add3A_364 = arith.addi %mul3A_363, %mul3A_361 : i32
        %broadcast_in_dim3A = vector.broadcast %add3A_364 : i32 to vector<16xi32>
        %add3A_365 = arith.addi %broadcast_in_dim3A, %shift_right_logical3A_2 : vector<16xi32>
        %mul3A_366 = arith.constant 8 : i32
        %mul3A_367 = arith.muli %mul3A_366, %and3A_357 : i32
        %broadcast_in_dim3A_368 = vector.broadcast %mul3A_367 : i32 to vector<16xi32>
        %add3A_369 = arith.addi %broadcast_in_dim3A_368, %and3A_4 : vector<16xi32>
        %lt3A = arith.constant 26 : i32
        %lt3A_370 = vector.broadcast %lt3A : i32 to vector<16xi32>
        %lt3A_371 = arith.cmpi slt, %add3A_369, %lt3A_370 : vector<16xi32>
        %min3A = arith.constant 25 : i32
        %min3A_372 = vector.broadcast %min3A : i32 to vector<16xi32>
        %min3A_373 = arith.minsi %add3A_369, %min3A_372 : vector<16xi32>
        %gather3A = tpu.vector_load_idx %arg5[%add3A_365, %min3A_373] : memref<64x26xi32, #tpu.memory_space<vmem>>[vector<16xi32>, vector<16xi32>], vector<16xi32>,
        %mul3A_374 = arith.constant 100000 : i32
        %mul3A_375 = vector.broadcast %mul3A_374 : i32 to vector<16xi32>
        %mul3A_376 = arith.muli %add3A_369, %mul3A_375 : vector<16xi32>
        %add3A_377 = arith.addi %gather3A, %mul3A_376 : vector<16xi32>
        %add3A_378 = vector.broadcast %add3A_15 : i32 to vector<16xi32>
        %add3A_379 = arith.addi %add3A_365, %add3A_378 : vector<16xi32>
        %mul3A_380 = arith.constant 6 : i32
        %mul3A_381 = vector.broadcast %mul3A_380 : i32 to vector<16xi32>
        %mul3A_382 = arith.muli %add3A_379, %mul3A_381 : vector<16xi32>
        %sub3A = arith.constant 26 : i32
        %sub3A_383 = vector.broadcast %sub3A : i32 to vector<16xi32>
        %sub3A_384 = arith.subi %add3A_369, %sub3A_383 : vector<16xi32>
        %add3A_385 = arith.addi %mul3A_382, %sub3A_384 : vector<16xi32>
        %select_n3A = arith.select %lt3A_371, %add3A_377, %add3A_385 : vector<16xi1>, vector<16xi32>
        %shift_right_logical3A_386 = arith.constant 3 : i32
        %shift_right_logical3A_387 = arith.shrui %scan3A_351, %shift_right_logical3A_386 : i32
        %and3A_388 = arith.constant 7 : i32
        %and3A_389 = arith.andi %scan3A_351, %and3A_388 : i32
        %mul3A_390 = arith.constant 16 : i32
        %mul3A_391 = arith.muli %and3A_389, %mul3A_390 : i32
        %swap3A = arith.index_cast %shift_right_logical3A_387 : i32 to index
        %swap3A_392 = arith.index_cast %mul3A_391 : i32 to index
        %swap3A_393 = tpu.vector_load %arg6[%swap3A, %swap3A_392] {strides = array<i32>} : memref<16x128xi32, #tpu.memory_space<vmem>>, vector<16xi32>,
        tpu.vector_store %arg6[%swap3A, %swap3A_392], %select_n3A {strides = array<i32>} : memref<16x128xi32, #tpu.memory_space<vmem>>, vector<16xi32>,
      }
      %scan3A_21 = arith.constant 128 : i32
      %dma_start3A = arith.constant 0 : i32
      %dma_start3A_22 = arith.constant 0 : i32
      %dma_start3A_23 = arith.constant 0 : i32
      %dma_start3A_24 = tpu.memref_slice %arg7[%dma_start3A_22, %dma_start3A_23] : memref<2048x16xf32, #tpu.memory_space<vmem>> -> memref<128x16xf32, #tpu.memory_space<vmem>>
      %dma_start3A_25 = arith.constant 0 : i32
      %dma_start3A_26 = tpu.memref_slice %arg6[%dma_start3A, %dma_start3A_25] : memref<16x128xi32, #tpu.memory_space<vmem>> -> memref<1x128xi32, #tpu.memory_space<vmem>>
      %dma_start3A_27 = tpu.memref_squeeze %dma_start3A_26 : memref<1x128xi32, #tpu.memory_space<vmem>> -> memref<128xi32, #tpu.memory_space<vmem>>
      %dma_start3A_28 = arith.constant 0 : i32
      %dma_start3A_29 = arith.constant 0 : i32
      %dma_start3A_30 = tpu.memref_slice %arg2[%dma_start3A_28, %dma_start3A_29] : memref<2600000x16xf32, #tpu.memory_space<hbm>> -> memref<2600000x16xf32, #tpu.memory_space<hbm>>
      tpu.enqueue_indirect_dma source(%dma_start3A_30 : memref<2600000x16xf32, #tpu.memory_space<hbm>>) target(%dma_start3A_24 : memref<128x16xf32, #tpu.memory_space<vmem>>) offsets(%dma_start3A_27 : memref<128xi32, #tpu.memory_space<vmem>>) semaphore(%arg9 : memref<!tpu.dma_semaphore, #tpu.memory_space<semaphore_mem>>)
      %dma_start3A_31 = arith.constant 1 : i32
      %dma_start3A_32 = arith.constant 128 : i32
      %dma_start3A_33 = arith.constant 0 : i32
      %dma_start3A_34 = tpu.memref_slice %arg7[%dma_start3A_32, %dma_start3A_33] : memref<2048x16xf32, #tpu.memory_space<vmem>> -> memref<128x16xf32, #tpu.memory_space<vmem>>
      %dma_start3A_35 = arith.constant 0 : i32
      %dma_start3A_36 = tpu.memref_slice %arg6[%dma_start3A_31, %dma_start3A_35] : memref<16x128xi32, #tpu.memory_space<vmem>> -> memref<1x128xi32, #tpu.memory_space<vmem>>
      %dma_start3A_37 = tpu.memref_squeeze %dma_start3A_36 : memref<1x128xi32, #tpu.memory_space<vmem>> -> memref<128xi32, #tpu.memory_space<vmem>>
      %dma_start3A_38 = arith.constant 0 : i32
      %dma_start3A_39 = arith.constant 0 : i32
      %dma_start3A_40 = tpu.memref_slice %arg2[%dma_start3A_38, %dma_start3A_39] : memref<2600000x16xf32, #tpu.memory_space<hbm>> -> memref<2600000x16xf32, #tpu.memory_space<hbm>>
      tpu.enqueue_indirect_dma source(%dma_start3A_40 : memref<2600000x16xf32, #tpu.memory_space<hbm>>) target(%dma_start3A_34 : memref<128x16xf32, #tpu.memory_space<vmem>>) offsets(%dma_start3A_37 : memref<128xi32, #tpu.memory_space<vmem>>) semaphore(%arg9 : memref<!tpu.dma_semaphore, #tpu.memory_space<semaphore_mem>>)
      %dma_start3A_41 = arith.constant 2 : i32
      %dma_start3A_42 = arith.constant 256 : i32
      %dma_start3A_43 = arith.constant 0 : i32
      %dma_start3A_44 = tpu.memref_slice %arg7[%dma_start3A_42, %dma_start3A_43] : memref<2048x16xf32, #tpu.memory_space<vmem>> -> memref<128x16xf32, #tpu.memory_space<vmem>>
      %dma_start3A_45 = arith.constant 0 : i32
      %dma_start3A_46 = tpu.memref_slice %arg6[%dma_start3A_41, %dma_start3A_45] : memref<16x128xi32, #tpu.memory_space<vmem>> -> memref<1x128xi32, #tpu.memory_space<vmem>>
      %dma_start3A_47 = tpu.memref_squeeze %dma_start3A_46 : memref<1x128xi32, #tpu.memory_space<vmem>> -> memref<128xi32, #tpu.memory_space<vmem>>
      %dma_start3A_48 = arith.constant 0 : i32
      %dma_start3A_49 = arith.constant 0 : i32
      %dma_start3A_50 = tpu.memref_slice %arg2[%dma_start3A_48, %dma_start3A_49] : memref<2600000x16xf32, #tpu.memory_space<hbm>> -> memref<2600000x16xf32, #tpu.memory_space<hbm>>
      tpu.enqueue_indirect_dma source(%dma_start3A_50 : memref<2600000x16xf32, #tpu.memory_space<hbm>>) target(%dma_start3A_44 : memref<128x16xf32, #tpu.memory_space<vmem>>) offsets(%dma_start3A_47 : memref<128xi32, #tpu.memory_space<vmem>>) semaphore(%arg9 : memref<!tpu.dma_semaphore, #tpu.memory_space<semaphore_mem>>)
      %dma_start3A_51 = arith.constant 3 : i32
      %dma_start3A_52 = arith.constant 384 : i32
      %dma_start3A_53 = arith.constant 0 : i32
      %dma_start3A_54 = tpu.memref_slice %arg7[%dma_start3A_52, %dma_start3A_53] : memref<2048x16xf32, #tpu.memory_space<vmem>> -> memref<128x16xf32, #tpu.memory_space<vmem>>
      %dma_start3A_55 = arith.constant 0 : i32
      %dma_start3A_56 = tpu.memref_slice %arg6[%dma_start3A_51, %dma_start3A_55] : memref<16x128xi32, #tpu.memory_space<vmem>> -> memref<1x128xi32, #tpu.memory_space<vmem>>
      %dma_start3A_57 = tpu.memref_squeeze %dma_start3A_56 : memref<1x128xi32, #tpu.memory_space<vmem>> -> memref<128xi32, #tpu.memory_space<vmem>>
      %dma_start3A_58 = arith.constant 0 : i32
      %dma_start3A_59 = arith.constant 0 : i32
      %dma_start3A_60 = tpu.memref_slice %arg2[%dma_start3A_58, %dma_start3A_59] : memref<2600000x16xf32, #tpu.memory_space<hbm>> -> memref<2600000x16xf32, #tpu.memory_space<hbm>>
      tpu.enqueue_indirect_dma source(%dma_start3A_60 : memref<2600000x16xf32, #tpu.memory_space<hbm>>) target(%dma_start3A_54 : memref<128x16xf32, #tpu.memory_space<vmem>>) offsets(%dma_start3A_57 : memref<128xi32, #tpu.memory_space<vmem>>) semaphore(%arg9 : memref<!tpu.dma_semaphore, #tpu.memory_space<semaphore_mem>>)
      %dma_start3A_61 = arith.constant 4 : i32
      %dma_start3A_62 = arith.constant 512 : i32
      %dma_start3A_63 = arith.constant 0 : i32
      %dma_start3A_64 = tpu.memref_slice %arg7[%dma_start3A_62, %dma_start3A_63] : memref<2048x16xf32, #tpu.memory_space<vmem>> -> memref<128x16xf32, #tpu.memory_space<vmem>>
      %dma_start3A_65 = arith.constant 0 : i32
      %dma_start3A_66 = tpu.memref_slice %arg6[%dma_start3A_61, %dma_start3A_65] : memref<16x128xi32, #tpu.memory_space<vmem>> -> memref<1x128xi32, #tpu.memory_space<vmem>>
      %dma_start3A_67 = tpu.memref_squeeze %dma_start3A_66 : memref<1x128xi32, #tpu.memory_space<vmem>> -> memref<128xi32, #tpu.memory_space<vmem>>
      %dma_start3A_68 = arith.constant 0 : i32
      %dma_start3A_69 = arith.constant 0 : i32
      %dma_start3A_70 = tpu.memref_slice %arg2[%dma_start3A_68, %dma_start3A_69] : memref<2600000x16xf32, #tpu.memory_space<hbm>> -> memref<2600000x16xf32, #tpu.memory_space<hbm>>
      tpu.enqueue_indirect_dma source(%dma_start3A_70 : memref<2600000x16xf32, #tpu.memory_space<hbm>>) target(%dma_start3A_64 : memref<128x16xf32, #tpu.memory_space<vmem>>) offsets(%dma_start3A_67 : memref<128xi32, #tpu.memory_space<vmem>>) semaphore(%arg9 : memref<!tpu.dma_semaphore, #tpu.memory_space<semaphore_mem>>)
      %dma_start3A_71 = arith.constant 5 : i32
      %dma_start3A_72 = arith.constant 640 : i32
      %dma_start3A_73 = arith.constant 0 : i32
      %dma_start3A_74 = tpu.memref_slice %arg7[%dma_start3A_72, %dma_start3A_73] : memref<2048x16xf32, #tpu.memory_space<vmem>> -> memref<128x16xf32, #tpu.memory_space<vmem>>
      %dma_start3A_75 = arith.constant 0 : i32
      %dma_start3A_76 = tpu.memref_slice %arg6[%dma_start3A_71, %dma_start3A_75] : memref<16x128xi32, #tpu.memory_space<vmem>> -> memref<1x128xi32, #tpu.memory_space<vmem>>
      %dma_start3A_77 = tpu.memref_squeeze %dma_start3A_76 : memref<1x128xi32, #tpu.memory_space<vmem>> -> memref<128xi32, #tpu.memory_space<vmem>>
      %dma_start3A_78 = arith.constant 0 : i32
      %dma_start3A_79 = arith.constant 0 : i32
      %dma_start3A_80 = tpu.memref_slice %arg2[%dma_start3A_78, %dma_start3A_79] : memref<2600000x16xf32, #tpu.memory_space<hbm>> -> memref<2600000x16xf32, #tpu.memory_space<hbm>>
      tpu.enqueue_indirect_dma source(%dma_start3A_80 : memref<2600000x16xf32, #tpu.memory_space<hbm>>) target(%dma_start3A_74 : memref<128x16xf32, #tpu.memory_space<vmem>>) offsets(%dma_start3A_77 : memref<128xi32, #tpu.memory_space<vmem>>) semaphore(%arg9 : memref<!tpu.dma_semaphore, #tpu.memory_space<semaphore_mem>>)
      %dma_start3A_81 = arith.constant 6 : i32
      %dma_start3A_82 = arith.constant 768 : i32
      %dma_start3A_83 = arith.constant 0 : i32
      %dma_start3A_84 = tpu.memref_slice %arg7[%dma_start3A_82, %dma_start3A_83] : memref<2048x16xf32, #tpu.memory_space<vmem>> -> memref<128x16xf32, #tpu.memory_space<vmem>>
      %dma_start3A_85 = arith.constant 0 : i32
      %dma_start3A_86 = tpu.memref_slice %arg6[%dma_start3A_81, %dma_start3A_85] : memref<16x128xi32, #tpu.memory_space<vmem>> -> memref<1x128xi32, #tpu.memory_space<vmem>>
      %dma_start3A_87 = tpu.memref_squeeze %dma_start3A_86 : memref<1x128xi32, #tpu.memory_space<vmem>> -> memref<128xi32, #tpu.memory_space<vmem>>
      %dma_start3A_88 = arith.constant 0 : i32
      %dma_start3A_89 = arith.constant 0 : i32
      %dma_start3A_90 = tpu.memref_slice %arg2[%dma_start3A_88, %dma_start3A_89] : memref<2600000x16xf32, #tpu.memory_space<hbm>> -> memref<2600000x16xf32, #tpu.memory_space<hbm>>
      tpu.enqueue_indirect_dma source(%dma_start3A_90 : memref<2600000x16xf32, #tpu.memory_space<hbm>>) target(%dma_start3A_84 : memref<128x16xf32, #tpu.memory_space<vmem>>) offsets(%dma_start3A_87 : memref<128xi32, #tpu.memory_space<vmem>>) semaphore(%arg9 : memref<!tpu.dma_semaphore, #tpu.memory_space<semaphore_mem>>)
      %dma_start3A_91 = arith.constant 7 : i32
      %dma_start3A_92 = arith.constant 896 : i32
      %dma_start3A_93 = arith.constant 0 : i32
      %dma_start3A_94 = tpu.memref_slice %arg7[%dma_start3A_92, %dma_start3A_93] : memref<2048x16xf32, #tpu.memory_space<vmem>> -> memref<128x16xf32, #tpu.memory_space<vmem>>
      %dma_start3A_95 = arith.constant 0 : i32
      %dma_start3A_96 = tpu.memref_slice %arg6[%dma_start3A_91, %dma_start3A_95] : memref<16x128xi32, #tpu.memory_space<vmem>> -> memref<1x128xi32, #tpu.memory_space<vmem>>
      %dma_start3A_97 = tpu.memref_squeeze %dma_start3A_96 : memref<1x128xi32, #tpu.memory_space<vmem>> -> memref<128xi32, #tpu.memory_space<vmem>>
      %dma_start3A_98 = arith.constant 0 : i32
      %dma_start3A_99 = arith.constant 0 : i32
      %dma_start3A_100 = tpu.memref_slice %arg2[%dma_start3A_98, %dma_start3A_99] : memref<2600000x16xf32, #tpu.memory_space<hbm>> -> memref<2600000x16xf32, #tpu.memory_space<hbm>>
      tpu.enqueue_indirect_dma source(%dma_start3A_100 : memref<2600000x16xf32, #tpu.memory_space<hbm>>) target(%dma_start3A_94 : memref<128x16xf32, #tpu.memory_space<vmem>>) offsets(%dma_start3A_97 : memref<128xi32, #tpu.memory_space<vmem>>) semaphore(%arg9 : memref<!tpu.dma_semaphore, #tpu.memory_space<semaphore_mem>>)
      %dma_start3A_101 = arith.constant 8 : i32
      %dma_start3A_102 = arith.constant 1024 : i32
      %dma_start3A_103 = arith.constant 0 : i32
      %dma_start3A_104 = tpu.memref_slice %arg7[%dma_start3A_102, %dma_start3A_103] : memref<2048x16xf32, #tpu.memory_space<vmem>> -> memref<128x16xf32, #tpu.memory_space<vmem>>
      %dma_start3A_105 = arith.constant 0 : i32
      %dma_start3A_106 = tpu.memref_slice %arg6[%dma_start3A_101, %dma_start3A_105] : memref<16x128xi32, #tpu.memory_space<vmem>> -> memref<1x128xi32, #tpu.memory_space<vmem>>
      %dma_start3A_107 = tpu.memref_squeeze %dma_start3A_106 : memref<1x128xi32, #tpu.memory_space<vmem>> -> memref<128xi32, #tpu.memory_space<vmem>>
      %dma_start3A_108 = arith.constant 0 : i32
      %dma_start3A_109 = arith.constant 0 : i32
      %dma_start3A_110 = tpu.memref_slice %arg2[%dma_start3A_108, %dma_start3A_109] : memref<2600000x16xf32, #tpu.memory_space<hbm>> -> memref<2600000x16xf32, #tpu.memory_space<hbm>>
      tpu.enqueue_indirect_dma source(%dma_start3A_110 : memref<2600000x16xf32, #tpu.memory_space<hbm>>) target(%dma_start3A_104 : memref<128x16xf32, #tpu.memory_space<vmem>>) offsets(%dma_start3A_107 : memref<128xi32, #tpu.memory_space<vmem>>) semaphore(%arg9 : memref<!tpu.dma_semaphore, #tpu.memory_space<semaphore_mem>>)
      %dma_start3A_111 = arith.constant 9 : i32
      %dma_start3A_112 = arith.constant 1152 : i32
      %dma_start3A_113 = arith.constant 0 : i32
      %dma_start3A_114 = tpu.memref_slice %arg7[%dma_start3A_112, %dma_start3A_113] : memref<2048x16xf32, #tpu.memory_space<vmem>> -> memref<128x16xf32, #tpu.memory_space<vmem>>
      %dma_start3A_115 = arith.constant 0 : i32
      %dma_start3A_116 = tpu.memref_slice %arg6[%dma_start3A_111, %dma_start3A_115] : memref<16x128xi32, #tpu.memory_space<vmem>> -> memref<1x128xi32, #tpu.memory_space<vmem>>
      %dma_start3A_117 = tpu.memref_squeeze %dma_start3A_116 : memref<1x128xi32, #tpu.memory_space<vmem>> -> memref<128xi32, #tpu.memory_space<vmem>>
      %dma_start3A_118 = arith.constant 0 : i32
      %dma_start3A_119 = arith.constant 0 : i32
      %dma_start3A_120 = tpu.memref_slice %arg2[%dma_start3A_118, %dma_start3A_119] : memref<2600000x16xf32, #tpu.memory_space<hbm>> -> memref<2600000x16xf32, #tpu.memory_space<hbm>>
      tpu.enqueue_indirect_dma source(%dma_start3A_120 : memref<2600000x16xf32, #tpu.memory_space<hbm>>) target(%dma_start3A_114 : memref<128x16xf32, #tpu.memory_space<vmem>>) offsets(%dma_start3A_117 : memref<128xi32, #tpu.memory_space<vmem>>) semaphore(%arg9 : memref<!tpu.dma_semaphore, #tpu.memory_space<semaphore_mem>>)
      %dma_start3A_121 = arith.constant 10 : i32
      %dma_start3A_122 = arith.constant 1280 : i32
      %dma_start3A_123 = arith.constant 0 : i32
      %dma_start3A_124 = tpu.memref_slice %arg7[%dma_start3A_122, %dma_start3A_123] : memref<2048x16xf32, #tpu.memory_space<vmem>> -> memref<128x16xf32, #tpu.memory_space<vmem>>
      %dma_start3A_125 = arith.constant 0 : i32
      %dma_start3A_126 = tpu.memref_slice %arg6[%dma_start3A_121, %dma_start3A_125] : memref<16x128xi32, #tpu.memory_space<vmem>> -> memref<1x128xi32, #tpu.memory_space<vmem>>
      %dma_start3A_127 = tpu.memref_squeeze %dma_start3A_126 : memref<1x128xi32, #tpu.memory_space<vmem>> -> memref<128xi32, #tpu.memory_space<vmem>>
      %dma_start3A_128 = arith.constant 0 : i32
      %dma_start3A_129 = arith.constant 0 : i32
      %dma_start3A_130 = tpu.memref_slice %arg2[%dma_start3A_128, %dma_start3A_129] : memref<2600000x16xf32, #tpu.memory_space<hbm>> -> memref<2600000x16xf32, #tpu.memory_space<hbm>>
      tpu.enqueue_indirect_dma source(%dma_start3A_130 : memref<2600000x16xf32, #tpu.memory_space<hbm>>) target(%dma_start3A_124 : memref<128x16xf32, #tpu.memory_space<vmem>>) offsets(%dma_start3A_127 : memref<128xi32, #tpu.memory_space<vmem>>) semaphore(%arg9 : memref<!tpu.dma_semaphore, #tpu.memory_space<semaphore_mem>>)
      %dma_start3A_131 = arith.constant 11 : i32
      %dma_start3A_132 = arith.constant 1408 : i32
      %dma_start3A_133 = arith.constant 0 : i32
      %dma_start3A_134 = tpu.memref_slice %arg7[%dma_start3A_132, %dma_start3A_133] : memref<2048x16xf32, #tpu.memory_space<vmem>> -> memref<128x16xf32, #tpu.memory_space<vmem>>
      %dma_start3A_135 = arith.constant 0 : i32
      %dma_start3A_136 = tpu.memref_slice %arg6[%dma_start3A_131, %dma_start3A_135] : memref<16x128xi32, #tpu.memory_space<vmem>> -> memref<1x128xi32, #tpu.memory_space<vmem>>
      %dma_start3A_137 = tpu.memref_squeeze %dma_start3A_136 : memref<1x128xi32, #tpu.memory_space<vmem>> -> memref<128xi32, #tpu.memory_space<vmem>>
      %dma_start3A_138 = arith.constant 0 : i32
      %dma_start3A_139 = arith.constant 0 : i32
      %dma_start3A_140 = tpu.memref_slice %arg2[%dma_start3A_138, %dma_start3A_139] : memref<2600000x16xf32, #tpu.memory_space<hbm>> -> memref<2600000x16xf32, #tpu.memory_space<hbm>>
      tpu.enqueue_indirect_dma source(%dma_start3A_140 : memref<2600000x16xf32, #tpu.memory_space<hbm>>) target(%dma_start3A_134 : memref<128x16xf32, #tpu.memory_space<vmem>>) offsets(%dma_start3A_137 : memref<128xi32, #tpu.memory_space<vmem>>) semaphore(%arg9 : memref<!tpu.dma_semaphore, #tpu.memory_space<semaphore_mem>>)
      %dma_start3A_141 = arith.constant 12 : i32
      %dma_start3A_142 = arith.constant 1536 : i32
      %dma_start3A_143 = arith.constant 0 : i32
      %dma_start3A_144 = tpu.memref_slice %arg7[%dma_start3A_142, %dma_start3A_143] : memref<2048x16xf32, #tpu.memory_space<vmem>> -> memref<128x16xf32, #tpu.memory_space<vmem>>
      %dma_start3A_145 = arith.constant 0 : i32
      %dma_start3A_146 = tpu.memref_slice %arg6[%dma_start3A_141, %dma_start3A_145] : memref<16x128xi32, #tpu.memory_space<vmem>> -> memref<1x128xi32, #tpu.memory_space<vmem>>
      %dma_start3A_147 = tpu.memref_squeeze %dma_start3A_146 : memref<1x128xi32, #tpu.memory_space<vmem>> -> memref<128xi32, #tpu.memory_space<vmem>>
      %dma_start3A_148 = arith.constant 0 : i32
      %dma_start3A_149 = arith.constant 0 : i32
      %dma_start3A_150 = tpu.memref_slice %arg2[%dma_start3A_148, %dma_start3A_149] : memref<2600000x16xf32, #tpu.memory_space<hbm>> -> memref<2600000x16xf32, #tpu.memory_space<hbm>>
      tpu.enqueue_indirect_dma source(%dma_start3A_150 : memref<2600000x16xf32, #tpu.memory_space<hbm>>) target(%dma_start3A_144 : memref<128x16xf32, #tpu.memory_space<vmem>>) offsets(%dma_start3A_147 : memref<128xi32, #tpu.memory_space<vmem>>) semaphore(%arg9 : memref<!tpu.dma_semaphore, #tpu.memory_space<semaphore_mem>>)
      %dma_start3A_151 = arith.constant 13 : i32
      %dma_start3A_152 = arith.constant 1664 : i32
      %dma_start3A_153 = arith.constant 0 : i32
      %dma_start3A_154 = tpu.memref_slice %arg7[%dma_start3A_152, %dma_start3A_153] : memref<2048x16xf32, #tpu.memory_space<vmem>> -> memref<128x16xf32, #tpu.memory_space<vmem>>
      %dma_start3A_155 = arith.constant 0 : i32
      %dma_start3A_156 = tpu.memref_slice %arg6[%dma_start3A_151, %dma_start3A_155] : memref<16x128xi32, #tpu.memory_space<vmem>> -> memref<1x128xi32, #tpu.memory_space<vmem>>
      %dma_start3A_157 = tpu.memref_squeeze %dma_start3A_156 : memref<1x128xi32, #tpu.memory_space<vmem>> -> memref<128xi32, #tpu.memory_space<vmem>>
      %dma_start3A_158 = arith.constant 0 : i32
      %dma_start3A_159 = arith.constant 0 : i32
      %dma_start3A_160 = tpu.memref_slice %arg2[%dma_start3A_158, %dma_start3A_159] : memref<2600000x16xf32, #tpu.memory_space<hbm>> -> memref<2600000x16xf32, #tpu.memory_space<hbm>>
      tpu.enqueue_indirect_dma source(%dma_start3A_160 : memref<2600000x16xf32, #tpu.memory_space<hbm>>) target(%dma_start3A_154 : memref<128x16xf32, #tpu.memory_space<vmem>>) offsets(%dma_start3A_157 : memref<128xi32, #tpu.memory_space<vmem>>) semaphore(%arg9 : memref<!tpu.dma_semaphore, #tpu.memory_space<semaphore_mem>>)
      %dma_start3A_161 = arith.constant 14 : i32
      %dma_start3A_162 = arith.constant 1792 : i32
      %dma_start3A_163 = arith.constant 0 : i32
      %dma_start3A_164 = tpu.memref_slice %arg7[%dma_start3A_162, %dma_start3A_163] : memref<2048x16xf32, #tpu.memory_space<vmem>> -> memref<128x16xf32, #tpu.memory_space<vmem>>
      %dma_start3A_165 = arith.constant 0 : i32
      %dma_start3A_166 = tpu.memref_slice %arg6[%dma_start3A_161, %dma_start3A_165] : memref<16x128xi32, #tpu.memory_space<vmem>> -> memref<1x128xi32, #tpu.memory_space<vmem>>
      %dma_start3A_167 = tpu.memref_squeeze %dma_start3A_166 : memref<1x128xi32, #tpu.memory_space<vmem>> -> memref<128xi32, #tpu.memory_space<vmem>>
      %dma_start3A_168 = arith.constant 0 : i32
      %dma_start3A_169 = arith.constant 0 : i32
      %dma_start3A_170 = tpu.memref_slice %arg2[%dma_start3A_168, %dma_start3A_169] : memref<2600000x16xf32, #tpu.memory_space<hbm>> -> memref<2600000x16xf32, #tpu.memory_space<hbm>>
      tpu.enqueue_indirect_dma source(%dma_start3A_170 : memref<2600000x16xf32, #tpu.memory_space<hbm>>) target(%dma_start3A_164 : memref<128x16xf32, #tpu.memory_space<vmem>>) offsets(%dma_start3A_167 : memref<128xi32, #tpu.memory_space<vmem>>) semaphore(%arg9 : memref<!tpu.dma_semaphore, #tpu.memory_space<semaphore_mem>>)
      %dma_start3A_171 = arith.constant 15 : i32
      %dma_start3A_172 = arith.constant 1920 : i32
      %dma_start3A_173 = arith.constant 0 : i32
      %dma_start3A_174 = tpu.memref_slice %arg7[%dma_start3A_172, %dma_start3A_173] : memref<2048x16xf32, #tpu.memory_space<vmem>> -> memref<128x16xf32, #tpu.memory_space<vmem>>
      %dma_start3A_175 = arith.constant 0 : i32
      %dma_start3A_176 = tpu.memref_slice %arg6[%dma_start3A_171, %dma_start3A_175] : memref<16x128xi32, #tpu.memory_space<vmem>> -> memref<1x128xi32, #tpu.memory_space<vmem>>
      %dma_start3A_177 = tpu.memref_squeeze %dma_start3A_176 : memref<1x128xi32, #tpu.memory_space<vmem>> -> memref<128xi32, #tpu.memory_space<vmem>>
      %dma_start3A_178 = arith.constant 0 : i32
      %dma_start3A_179 = arith.constant 0 : i32
      %dma_start3A_180 = tpu.memref_slice %arg2[%dma_start3A_178, %dma_start3A_179] : memref<2600000x16xf32, #tpu.memory_space<hbm>> -> memref<2600000x16xf32, #tpu.memory_space<hbm>>
      tpu.enqueue_indirect_dma source(%dma_start3A_180 : memref<2600000x16xf32, #tpu.memory_space<hbm>>) target(%dma_start3A_174 : memref<128x16xf32, #tpu.memory_space<vmem>>) offsets(%dma_start3A_177 : memref<128xi32, #tpu.memory_space<vmem>>) semaphore(%arg9 : memref<!tpu.dma_semaphore, #tpu.memory_space<semaphore_mem>>)
      %dma_wait3A = arith.constant 0 : i32
      %dma_wait3A_181 = arith.constant 0 : i32
      %dma_wait3A_182 = arith.constant 0 : i32
      %dma_wait3A_183 = tpu.memref_slice %arg7[%dma_wait3A_181, %dma_wait3A_182] : memref<2048x16xf32, #tpu.memory_space<vmem>> -> memref<128x16xf32, #tpu.memory_space<vmem>>
      %dma_wait3A_184 = arith.constant 0 : i32
      %dma_wait3A_185 = tpu.memref_slice %arg6[%dma_wait3A, %dma_wait3A_184] : memref<16x128xi32, #tpu.memory_space<vmem>> -> memref<1x128xi32, #tpu.memory_space<vmem>>
      %dma_wait3A_186 = tpu.memref_squeeze %dma_wait3A_185 : memref<1x128xi32, #tpu.memory_space<vmem>> -> memref<128xi32, #tpu.memory_space<vmem>>
      %dma_wait3A_187 = arith.constant 0 : i32
      %dma_wait3A_188 = arith.constant 0 : i32
      %dma_wait3A_189 = tpu.memref_slice %arg2[%dma_wait3A_187, %dma_wait3A_188] : memref<2600000x16xf32, #tpu.memory_space<hbm>> -> memref<2600000x16xf32, #tpu.memory_space<hbm>>
      tpu.wait_indirect_dma semaphore(%arg9 : memref<!tpu.dma_semaphore, #tpu.memory_space<semaphore_mem>>) src(%dma_wait3A_189 : memref<2600000x16xf32, #tpu.memory_space<hbm>>) dst(%dma_wait3A_183 : memref<128x16xf32, #tpu.memory_space<vmem>>)
      %dma_wait3A_190 = arith.constant 1 : i32
      %dma_wait3A_191 = arith.constant 128 : i32
      %dma_wait3A_192 = arith.constant 0 : i32
      %dma_wait3A_193 = tpu.memref_slice %arg7[%dma_wait3A_191, %dma_wait3A_192] : memref<2048x16xf32, #tpu.memory_space<vmem>> -> memref<128x16xf32, #tpu.memory_space<vmem>>
      %dma_wait3A_194 = arith.constant 0 : i32
      %dma_wait3A_195 = tpu.memref_slice %arg6[%dma_wait3A_190, %dma_wait3A_194] : memref<16x128xi32, #tpu.memory_space<vmem>> -> memref<1x128xi32, #tpu.memory_space<vmem>>
      %dma_wait3A_196 = tpu.memref_squeeze %dma_wait3A_195 : memref<1x128xi32, #tpu.memory_space<vmem>> -> memref<128xi32, #tpu.memory_space<vmem>>
      %dma_wait3A_197 = arith.constant 0 : i32
      %dma_wait3A_198 = arith.constant 0 : i32
      %dma_wait3A_199 = tpu.memref_slice %arg2[%dma_wait3A_197, %dma_wait3A_198] : memref<2600000x16xf32, #tpu.memory_space<hbm>> -> memref<2600000x16xf32, #tpu.memory_space<hbm>>
      tpu.wait_indirect_dma semaphore(%arg9 : memref<!tpu.dma_semaphore, #tpu.memory_space<semaphore_mem>>) src(%dma_wait3A_199 : memref<2600000x16xf32, #tpu.memory_space<hbm>>) dst(%dma_wait3A_193 : memref<128x16xf32, #tpu.memory_space<vmem>>)
      %dma_wait3A_200 = arith.constant 2 : i32
      %dma_wait3A_201 = arith.constant 256 : i32
      %dma_wait3A_202 = arith.constant 0 : i32
      %dma_wait3A_203 = tpu.memref_slice %arg7[%dma_wait3A_201, %dma_wait3A_202] : memref<2048x16xf32, #tpu.memory_space<vmem>> -> memref<128x16xf32, #tpu.memory_space<vmem>>
      %dma_wait3A_204 = arith.constant 0 : i32
      %dma_wait3A_205 = tpu.memref_slice %arg6[%dma_wait3A_200, %dma_wait3A_204] : memref<16x128xi32, #tpu.memory_space<vmem>> -> memref<1x128xi32, #tpu.memory_space<vmem>>
      %dma_wait3A_206 = tpu.memref_squeeze %dma_wait3A_205 : memref<1x128xi32, #tpu.memory_space<vmem>> -> memref<128xi32, #tpu.memory_space<vmem>>
      %dma_wait3A_207 = arith.constant 0 : i32
      %dma_wait3A_208 = arith.constant 0 : i32
      %dma_wait3A_209 = tpu.memref_slice %arg2[%dma_wait3A_207, %dma_wait3A_208] : memref<2600000x16xf32, #tpu.memory_space<hbm>> -> memref<2600000x16xf32, #tpu.memory_space<hbm>>
      tpu.wait_indirect_dma semaphore(%arg9 : memref<!tpu.dma_semaphore, #tpu.memory_space<semaphore_mem>>) src(%dma_wait3A_209 : memref<2600000x16xf32, #tpu.memory_space<hbm>>) dst(%dma_wait3A_203 : memref<128x16xf32, #tpu.memory_space<vmem>>)
      %dma_wait3A_210 = arith.constant 3 : i32
      %dma_wait3A_211 = arith.constant 384 : i32
      %dma_wait3A_212 = arith.constant 0 : i32
      %dma_wait3A_213 = tpu.memref_slice %arg7[%dma_wait3A_211, %dma_wait3A_212] : memref<2048x16xf32, #tpu.memory_space<vmem>> -> memref<128x16xf32, #tpu.memory_space<vmem>>
      %dma_wait3A_214 = arith.constant 0 : i32
      %dma_wait3A_215 = tpu.memref_slice %arg6[%dma_wait3A_210, %dma_wait3A_214] : memref<16x128xi32, #tpu.memory_space<vmem>> -> memref<1x128xi32, #tpu.memory_space<vmem>>
      %dma_wait3A_216 = tpu.memref_squeeze %dma_wait3A_215 : memref<1x128xi32, #tpu.memory_space<vmem>> -> memref<128xi32, #tpu.memory_space<vmem>>
      %dma_wait3A_217 = arith.constant 0 : i32
      %dma_wait3A_218 = arith.constant 0 : i32
      %dma_wait3A_219 = tpu.memref_slice %arg2[%dma_wait3A_217, %dma_wait3A_218] : memref<2600000x16xf32, #tpu.memory_space<hbm>> -> memref<2600000x16xf32, #tpu.memory_space<hbm>>
      tpu.wait_indirect_dma semaphore(%arg9 : memref<!tpu.dma_semaphore, #tpu.memory_space<semaphore_mem>>) src(%dma_wait3A_219 : memref<2600000x16xf32, #tpu.memory_space<hbm>>) dst(%dma_wait3A_213 : memref<128x16xf32, #tpu.memory_space<vmem>>)
      %dma_wait3A_220 = arith.constant 4 : i32
      %dma_wait3A_221 = arith.constant 512 : i32
      %dma_wait3A_222 = arith.constant 0 : i32
      %dma_wait3A_223 = tpu.memref_slice %arg7[%dma_wait3A_221, %dma_wait3A_222] : memref<2048x16xf32, #tpu.memory_space<vmem>> -> memref<128x16xf32, #tpu.memory_space<vmem>>
      %dma_wait3A_224 = arith.constant 0 : i32
      %dma_wait3A_225 = tpu.memref_slice %arg6[%dma_wait3A_220, %dma_wait3A_224] : memref<16x128xi32, #tpu.memory_space<vmem>> -> memref<1x128xi32, #tpu.memory_space<vmem>>
      %dma_wait3A_226 = tpu.memref_squeeze %dma_wait3A_225 : memref<1x128xi32, #tpu.memory_space<vmem>> -> memref<128xi32, #tpu.memory_space<vmem>>
      %dma_wait3A_227 = arith.constant 0 : i32
      %dma_wait3A_228 = arith.constant 0 : i32
      %dma_wait3A_229 = tpu.memref_slice %arg2[%dma_wait3A_227, %dma_wait3A_228] : memref<2600000x16xf32, #tpu.memory_space<hbm>> -> memref<2600000x16xf32, #tpu.memory_space<hbm>>
      tpu.wait_indirect_dma semaphore(%arg9 : memref<!tpu.dma_semaphore, #tpu.memory_space<semaphore_mem>>) src(%dma_wait3A_229 : memref<2600000x16xf32, #tpu.memory_space<hbm>>) dst(%dma_wait3A_223 : memref<128x16xf32, #tpu.memory_space<vmem>>)
      %dma_wait3A_230 = arith.constant 5 : i32
      %dma_wait3A_231 = arith.constant 640 : i32
      %dma_wait3A_232 = arith.constant 0 : i32
      %dma_wait3A_233 = tpu.memref_slice %arg7[%dma_wait3A_231, %dma_wait3A_232] : memref<2048x16xf32, #tpu.memory_space<vmem>> -> memref<128x16xf32, #tpu.memory_space<vmem>>
      %dma_wait3A_234 = arith.constant 0 : i32
      %dma_wait3A_235 = tpu.memref_slice %arg6[%dma_wait3A_230, %dma_wait3A_234] : memref<16x128xi32, #tpu.memory_space<vmem>> -> memref<1x128xi32, #tpu.memory_space<vmem>>
      %dma_wait3A_236 = tpu.memref_squeeze %dma_wait3A_235 : memref<1x128xi32, #tpu.memory_space<vmem>> -> memref<128xi32, #tpu.memory_space<vmem>>
      %dma_wait3A_237 = arith.constant 0 : i32
      %dma_wait3A_238 = arith.constant 0 : i32
      %dma_wait3A_239 = tpu.memref_slice %arg2[%dma_wait3A_237, %dma_wait3A_238] : memref<2600000x16xf32, #tpu.memory_space<hbm>> -> memref<2600000x16xf32, #tpu.memory_space<hbm>>
      tpu.wait_indirect_dma semaphore(%arg9 : memref<!tpu.dma_semaphore, #tpu.memory_space<semaphore_mem>>) src(%dma_wait3A_239 : memref<2600000x16xf32, #tpu.memory_space<hbm>>) dst(%dma_wait3A_233 : memref<128x16xf32, #tpu.memory_space<vmem>>)
      %dma_wait3A_240 = arith.constant 6 : i32
      %dma_wait3A_241 = arith.constant 768 : i32
      %dma_wait3A_242 = arith.constant 0 : i32
      %dma_wait3A_243 = tpu.memref_slice %arg7[%dma_wait3A_241, %dma_wait3A_242] : memref<2048x16xf32, #tpu.memory_space<vmem>> -> memref<128x16xf32, #tpu.memory_space<vmem>>
      %dma_wait3A_244 = arith.constant 0 : i32
      %dma_wait3A_245 = tpu.memref_slice %arg6[%dma_wait3A_240, %dma_wait3A_244] : memref<16x128xi32, #tpu.memory_space<vmem>> -> memref<1x128xi32, #tpu.memory_space<vmem>>
      %dma_wait3A_246 = tpu.memref_squeeze %dma_wait3A_245 : memref<1x128xi32, #tpu.memory_space<vmem>> -> memref<128xi32, #tpu.memory_space<vmem>>
      %dma_wait3A_247 = arith.constant 0 : i32
      %dma_wait3A_248 = arith.constant 0 : i32
      %dma_wait3A_249 = tpu.memref_slice %arg2[%dma_wait3A_247, %dma_wait3A_248] : memref<2600000x16xf32, #tpu.memory_space<hbm>> -> memref<2600000x16xf32, #tpu.memory_space<hbm>>
      tpu.wait_indirect_dma semaphore(%arg9 : memref<!tpu.dma_semaphore, #tpu.memory_space<semaphore_mem>>) src(%dma_wait3A_249 : memref<2600000x16xf32, #tpu.memory_space<hbm>>) dst(%dma_wait3A_243 : memref<128x16xf32, #tpu.memory_space<vmem>>)
      %dma_wait3A_250 = arith.constant 7 : i32
      %dma_wait3A_251 = arith.constant 896 : i32
      %dma_wait3A_252 = arith.constant 0 : i32
      %dma_wait3A_253 = tpu.memref_slice %arg7[%dma_wait3A_251, %dma_wait3A_252] : memref<2048x16xf32, #tpu.memory_space<vmem>> -> memref<128x16xf32, #tpu.memory_space<vmem>>
      %dma_wait3A_254 = arith.constant 0 : i32
      %dma_wait3A_255 = tpu.memref_slice %arg6[%dma_wait3A_250, %dma_wait3A_254] : memref<16x128xi32, #tpu.memory_space<vmem>> -> memref<1x128xi32, #tpu.memory_space<vmem>>
      %dma_wait3A_256 = tpu.memref_squeeze %dma_wait3A_255 : memref<1x128xi32, #tpu.memory_space<vmem>> -> memref<128xi32, #tpu.memory_space<vmem>>
      %dma_wait3A_257 = arith.constant 0 : i32
      %dma_wait3A_258 = arith.constant 0 : i32
      %dma_wait3A_259 = tpu.memref_slice %arg2[%dma_wait3A_257, %dma_wait3A_258] : memref<2600000x16xf32, #tpu.memory_space<hbm>> -> memref<2600000x16xf32, #tpu.memory_space<hbm>>
      tpu.wait_indirect_dma semaphore(%arg9 : memref<!tpu.dma_semaphore, #tpu.memory_space<semaphore_mem>>) src(%dma_wait3A_259 : memref<2600000x16xf32, #tpu.memory_space<hbm>>) dst(%dma_wait3A_253 : memref<128x16xf32, #tpu.memory_space<vmem>>)
      %dma_wait3A_260 = arith.constant 8 : i32
      %dma_wait3A_261 = arith.constant 1024 : i32
      %dma_wait3A_262 = arith.constant 0 : i32
      %dma_wait3A_263 = tpu.memref_slice %arg7[%dma_wait3A_261, %dma_wait3A_262] : memref<2048x16xf32, #tpu.memory_space<vmem>> -> memref<128x16xf32, #tpu.memory_space<vmem>>
      %dma_wait3A_264 = arith.constant 0 : i32
      %dma_wait3A_265 = tpu.memref_slice %arg6[%dma_wait3A_260, %dma_wait3A_264] : memref<16x128xi32, #tpu.memory_space<vmem>> -> memref<1x128xi32, #tpu.memory_space<vmem>>
      %dma_wait3A_266 = tpu.memref_squeeze %dma_wait3A_265 : memref<1x128xi32, #tpu.memory_space<vmem>> -> memref<128xi32, #tpu.memory_space<vmem>>
      %dma_wait3A_267 = arith.constant 0 : i32
      %dma_wait3A_268 = arith.constant 0 : i32
      %dma_wait3A_269 = tpu.memref_slice %arg2[%dma_wait3A_267, %dma_wait3A_268] : memref<2600000x16xf32, #tpu.memory_space<hbm>> -> memref<2600000x16xf32, #tpu.memory_space<hbm>>
      tpu.wait_indirect_dma semaphore(%arg9 : memref<!tpu.dma_semaphore, #tpu.memory_space<semaphore_mem>>) src(%dma_wait3A_269 : memref<2600000x16xf32, #tpu.memory_space<hbm>>) dst(%dma_wait3A_263 : memref<128x16xf32, #tpu.memory_space<vmem>>)
      %dma_wait3A_270 = arith.constant 9 : i32
      %dma_wait3A_271 = arith.constant 1152 : i32
      %dma_wait3A_272 = arith.constant 0 : i32
      %dma_wait3A_273 = tpu.memref_slice %arg7[%dma_wait3A_271, %dma_wait3A_272] : memref<2048x16xf32, #tpu.memory_space<vmem>> -> memref<128x16xf32, #tpu.memory_space<vmem>>
      %dma_wait3A_274 = arith.constant 0 : i32
      %dma_wait3A_275 = tpu.memref_slice %arg6[%dma_wait3A_270, %dma_wait3A_274] : memref<16x128xi32, #tpu.memory_space<vmem>> -> memref<1x128xi32, #tpu.memory_space<vmem>>
      %dma_wait3A_276 = tpu.memref_squeeze %dma_wait3A_275 : memref<1x128xi32, #tpu.memory_space<vmem>> -> memref<128xi32, #tpu.memory_space<vmem>>
      %dma_wait3A_277 = arith.constant 0 : i32
      %dma_wait3A_278 = arith.constant 0 : i32
      %dma_wait3A_279 = tpu.memref_slice %arg2[%dma_wait3A_277, %dma_wait3A_278] : memref<2600000x16xf32, #tpu.memory_space<hbm>> -> memref<2600000x16xf32, #tpu.memory_space<hbm>>
      tpu.wait_indirect_dma semaphore(%arg9 : memref<!tpu.dma_semaphore, #tpu.memory_space<semaphore_mem>>) src(%dma_wait3A_279 : memref<2600000x16xf32, #tpu.memory_space<hbm>>) dst(%dma_wait3A_273 : memref<128x16xf32, #tpu.memory_space<vmem>>)
      %dma_wait3A_280 = arith.constant 10 : i32
      %dma_wait3A_281 = arith.constant 1280 : i32
      %dma_wait3A_282 = arith.constant 0 : i32
      %dma_wait3A_283 = tpu.memref_slice %arg7[%dma_wait3A_281, %dma_wait3A_282] : memref<2048x16xf32, #tpu.memory_space<vmem>> -> memref<128x16xf32, #tpu.memory_space<vmem>>
      %dma_wait3A_284 = arith.constant 0 : i32
      %dma_wait3A_285 = tpu.memref_slice %arg6[%dma_wait3A_280, %dma_wait3A_284] : memref<16x128xi32, #tpu.memory_space<vmem>> -> memref<1x128xi32, #tpu.memory_space<vmem>>
      %dma_wait3A_286 = tpu.memref_squeeze %dma_wait3A_285 : memref<1x128xi32, #tpu.memory_space<vmem>> -> memref<128xi32, #tpu.memory_space<vmem>>
      %dma_wait3A_287 = arith.constant 0 : i32
      %dma_wait3A_288 = arith.constant 0 : i32
      %dma_wait3A_289 = tpu.memref_slice %arg2[%dma_wait3A_287, %dma_wait3A_288] : memref<2600000x16xf32, #tpu.memory_space<hbm>> -> memref<2600000x16xf32, #tpu.memory_space<hbm>>
      tpu.wait_indirect_dma semaphore(%arg9 : memref<!tpu.dma_semaphore, #tpu.memory_space<semaphore_mem>>) src(%dma_wait3A_289 : memref<2600000x16xf32, #tpu.memory_space<hbm>>) dst(%dma_wait3A_283 : memref<128x16xf32, #tpu.memory_space<vmem>>)
      %dma_wait3A_290 = arith.constant 11 : i32
      %dma_wait3A_291 = arith.constant 1408 : i32
      %dma_wait3A_292 = arith.constant 0 : i32
      %dma_wait3A_293 = tpu.memref_slice %arg7[%dma_wait3A_291, %dma_wait3A_292] : memref<2048x16xf32, #tpu.memory_space<vmem>> -> memref<128x16xf32, #tpu.memory_space<vmem>>
      %dma_wait3A_294 = arith.constant 0 : i32
      %dma_wait3A_295 = tpu.memref_slice %arg6[%dma_wait3A_290, %dma_wait3A_294] : memref<16x128xi32, #tpu.memory_space<vmem>> -> memref<1x128xi32, #tpu.memory_space<vmem>>
      %dma_wait3A_296 = tpu.memref_squeeze %dma_wait3A_295 : memref<1x128xi32, #tpu.memory_space<vmem>> -> memref<128xi32, #tpu.memory_space<vmem>>
      %dma_wait3A_297 = arith.constant 0 : i32
      %dma_wait3A_298 = arith.constant 0 : i32
      %dma_wait3A_299 = tpu.memref_slice %arg2[%dma_wait3A_297, %dma_wait3A_298] : memref<2600000x16xf32, #tpu.memory_space<hbm>> -> memref<2600000x16xf32, #tpu.memory_space<hbm>>
      tpu.wait_indirect_dma semaphore(%arg9 : memref<!tpu.dma_semaphore, #tpu.memory_space<semaphore_mem>>) src(%dma_wait3A_299 : memref<2600000x16xf32, #tpu.memory_space<hbm>>) dst(%dma_wait3A_293 : memref<128x16xf32, #tpu.memory_space<vmem>>)
      %dma_wait3A_300 = arith.constant 12 : i32
      %dma_wait3A_301 = arith.constant 1536 : i32
      %dma_wait3A_302 = arith.constant 0 : i32
      %dma_wait3A_303 = tpu.memref_slice %arg7[%dma_wait3A_301, %dma_wait3A_302] : memref<2048x16xf32, #tpu.memory_space<vmem>> -> memref<128x16xf32, #tpu.memory_space<vmem>>
      %dma_wait3A_304 = arith.constant 0 : i32
      %dma_wait3A_305 = tpu.memref_slice %arg6[%dma_wait3A_300, %dma_wait3A_304] : memref<16x128xi32, #tpu.memory_space<vmem>> -> memref<1x128xi32, #tpu.memory_space<vmem>>
      %dma_wait3A_306 = tpu.memref_squeeze %dma_wait3A_305 : memref<1x128xi32, #tpu.memory_space<vmem>> -> memref<128xi32, #tpu.memory_space<vmem>>
      %dma_wait3A_307 = arith.constant 0 : i32
      %dma_wait3A_308 = arith.constant 0 : i32
      %dma_wait3A_309 = tpu.memref_slice %arg2[%dma_wait3A_307, %dma_wait3A_308] : memref<2600000x16xf32, #tpu.memory_space<hbm>> -> memref<2600000x16xf32, #tpu.memory_space<hbm>>
      tpu.wait_indirect_dma semaphore(%arg9 : memref<!tpu.dma_semaphore, #tpu.memory_space<semaphore_mem>>) src(%dma_wait3A_309 : memref<2600000x16xf32, #tpu.memory_space<hbm>>) dst(%dma_wait3A_303 : memref<128x16xf32, #tpu.memory_space<vmem>>)
      %dma_wait3A_310 = arith.constant 13 : i32
      %dma_wait3A_311 = arith.constant 1664 : i32
      %dma_wait3A_312 = arith.constant 0 : i32
      %dma_wait3A_313 = tpu.memref_slice %arg7[%dma_wait3A_311, %dma_wait3A_312] : memref<2048x16xf32, #tpu.memory_space<vmem>> -> memref<128x16xf32, #tpu.memory_space<vmem>>
      %dma_wait3A_314 = arith.constant 0 : i32
      %dma_wait3A_315 = tpu.memref_slice %arg6[%dma_wait3A_310, %dma_wait3A_314] : memref<16x128xi32, #tpu.memory_space<vmem>> -> memref<1x128xi32, #tpu.memory_space<vmem>>
      %dma_wait3A_316 = tpu.memref_squeeze %dma_wait3A_315 : memref<1x128xi32, #tpu.memory_space<vmem>> -> memref<128xi32, #tpu.memory_space<vmem>>
      %dma_wait3A_317 = arith.constant 0 : i32
      %dma_wait3A_318 = arith.constant 0 : i32
      %dma_wait3A_319 = tpu.memref_slice %arg2[%dma_wait3A_317, %dma_wait3A_318] : memref<2600000x16xf32, #tpu.memory_space<hbm>> -> memref<2600000x16xf32, #tpu.memory_space<hbm>>
      tpu.wait_indirect_dma semaphore(%arg9 : memref<!tpu.dma_semaphore, #tpu.memory_space<semaphore_mem>>) src(%dma_wait3A_319 : memref<2600000x16xf32, #tpu.memory_space<hbm>>) dst(%dma_wait3A_313 : memref<128x16xf32, #tpu.memory_space<vmem>>)
      %dma_wait3A_320 = arith.constant 14 : i32
      %dma_wait3A_321 = arith.constant 1792 : i32
      %dma_wait3A_322 = arith.constant 0 : i32
      %dma_wait3A_323 = tpu.memref_slice %arg7[%dma_wait3A_321, %dma_wait3A_322] : memref<2048x16xf32, #tpu.memory_space<vmem>> -> memref<128x16xf32, #tpu.memory_space<vmem>>
      %dma_wait3A_324 = arith.constant 0 : i32
      %dma_wait3A_325 = tpu.memref_slice %arg6[%dma_wait3A_320, %dma_wait3A_324] : memref<16x128xi32, #tpu.memory_space<vmem>> -> memref<1x128xi32, #tpu.memory_space<vmem>>
      %dma_wait3A_326 = tpu.memref_squeeze %dma_wait3A_325 : memref<1x128xi32, #tpu.memory_space<vmem>> -> memref<128xi32, #tpu.memory_space<vmem>>
      %dma_wait3A_327 = arith.constant 0 : i32
      %dma_wait3A_328 = arith.constant 0 : i32
      %dma_wait3A_329 = tpu.memref_slice %arg2[%dma_wait3A_327, %dma_wait3A_328] : memref<2600000x16xf32, #tpu.memory_space<hbm>> -> memref<2600000x16xf32, #tpu.memory_space<hbm>>
      tpu.wait_indirect_dma semaphore(%arg9 : memref<!tpu.dma_semaphore, #tpu.memory_space<semaphore_mem>>) src(%dma_wait3A_329 : memref<2600000x16xf32, #tpu.memory_space<hbm>>) dst(%dma_wait3A_323 : memref<128x16xf32, #tpu.memory_space<vmem>>)
      %dma_wait3A_330 = arith.constant 15 : i32
      %dma_wait3A_331 = arith.constant 1920 : i32
      %dma_wait3A_332 = arith.constant 0 : i32
      %dma_wait3A_333 = tpu.memref_slice %arg7[%dma_wait3A_331, %dma_wait3A_332] : memref<2048x16xf32, #tpu.memory_space<vmem>> -> memref<128x16xf32, #tpu.memory_space<vmem>>
      %dma_wait3A_334 = arith.constant 0 : i32
      %dma_wait3A_335 = tpu.memref_slice %arg6[%dma_wait3A_330, %dma_wait3A_334] : memref<16x128xi32, #tpu.memory_space<vmem>> -> memref<1x128xi32, #tpu.memory_space<vmem>>
      %dma_wait3A_336 = tpu.memref_squeeze %dma_wait3A_335 : memref<1x128xi32, #tpu.memory_space<vmem>> -> memref<128xi32, #tpu.memory_space<vmem>>
      %dma_wait3A_337 = arith.constant 0 : i32
      %dma_wait3A_338 = arith.constant 0 : i32
      %dma_wait3A_339 = tpu.memref_slice %arg2[%dma_wait3A_337, %dma_wait3A_338] : memref<2600000x16xf32, #tpu.memory_space<hbm>> -> memref<2600000x16xf32, #tpu.memory_space<hbm>>
      tpu.wait_indirect_dma semaphore(%arg9 : memref<!tpu.dma_semaphore, #tpu.memory_space<semaphore_mem>>) src(%dma_wait3A_339 : memref<2600000x16xf32, #tpu.memory_space<hbm>>) dst(%dma_wait3A_333 : memref<128x16xf32, #tpu.memory_space<vmem>>)
      %scan3A_340 = arith.constant 0 : i32
      %scan3A_341 = arith.constant 0 : i32
      %scan3A_342 = arith.constant 256 : i32
      %scan3A_343 = arith.addi %scan3A_341, %scan3A_342 : i32
      %scan3A_344 = arith.constant 1 : i32
      scf.for %scan3A_351 = %scan3A_341 to %scan3A_343 step %scan3A_344  : i32 {
        %mul3A_352 = arith.constant 8 : i32
        %mul3A_353 = arith.muli %scan3A_351, %mul3A_352 : i32
        %add3A_354 = arith.constant 0 : i32
        %add3A_355 = arith.addi %mul3A_353, %add3A_354 : i32
        %get3A = arith.index_cast %add3A_355 : i32 to index
        %get3A_356 = arith.constant 0 : index
        %get3A_357 = tpu.vector_load %arg7[%get3A, %get3A_356] {strides = array<i32>} : memref<2048x16xf32, #tpu.memory_space<vmem>>, vector<16xf32>,
        %swap3A = arith.index_cast %scan3A_351 : i32 to index
        %swap3A_358 = arith.constant 0 : index
        %swap3A_359 = tpu.vector_load %arg8[%swap3A, %swap3A_358] {strides = array<i32>} : memref<256x128xf32, #tpu.memory_space<vmem>>, vector<16xf32>,
        tpu.vector_store %arg8[%swap3A, %swap3A_358], %get3A_357 {strides = array<i32>} : memref<256x128xf32, #tpu.memory_space<vmem>>, vector<16xf32>,
        %mul3A_360 = arith.constant 8 : i32
        %mul3A_361 = arith.muli %scan3A_351, %mul3A_360 : i32
        %add3A_362 = arith.constant 1 : i32
        %add3A_363 = arith.addi %mul3A_361, %add3A_362 : i32
        %get3A_364 = arith.index_cast %add3A_363 : i32 to index
        %get3A_365 = arith.constant 0 : index
        %get3A_366 = tpu.vector_load %arg7[%get3A_364, %get3A_365] {strides = array<i32>} : memref<2048x16xf32, #tpu.memory_space<vmem>>, vector<16xf32>,
        %swap3A_367 = arith.index_cast %scan3A_351 : i32 to index
        %swap3A_368 = arith.constant 16 : index
        %swap3A_369 = tpu.vector_load %arg8[%swap3A_367, %swap3A_368] {strides = array<i32>} : memref<256x128xf32, #tpu.memory_space<vmem>>, vector<16xf32>,
        tpu.vector_store %arg8[%swap3A_367, %swap3A_368], %get3A_366 {strides = array<i32>} : memref<256x128xf32, #tpu.memory_space<vmem>>, vector<16xf32>,
        %mul3A_370 = arith.constant 8 : i32
        %mul3A_371 = arith.muli %scan3A_351, %mul3A_370 : i32
        %add3A_372 = arith.constant 2 : i32
        %add3A_373 = arith.addi %mul3A_371, %add3A_372 : i32
        %get3A_374 = arith.index_cast %add3A_373 : i32 to index
        %get3A_375 = arith.constant 0 : index
        %get3A_376 = tpu.vector_load %arg7[%get3A_374, %get3A_375] {strides = array<i32>} : memref<2048x16xf32, #tpu.memory_space<vmem>>, vector<16xf32>,
        %swap3A_377 = arith.index_cast %scan3A_351 : i32 to index
        %swap3A_378 = arith.constant 32 : index
        %swap3A_379 = tpu.vector_load %arg8[%swap3A_377, %swap3A_378] {strides = array<i32>} : memref<256x128xf32, #tpu.memory_space<vmem>>, vector<16xf32>,
        tpu.vector_store %arg8[%swap3A_377, %swap3A_378], %get3A_376 {strides = array<i32>} : memref<256x128xf32, #tpu.memory_space<vmem>>, vector<16xf32>,
        %mul3A_380 = arith.constant 8 : i32
        %mul3A_381 = arith.muli %scan3A_351, %mul3A_380 : i32
        %add3A_382 = arith.constant 3 : i32
        %add3A_383 = arith.addi %mul3A_381, %add3A_382 : i32
        %get3A_384 = arith.index_cast %add3A_383 : i32 to index
        %get3A_385 = arith.constant 0 : index
        %get3A_386 = tpu.vector_load %arg7[%get3A_384, %get3A_385] {strides = array<i32>} : memref<2048x16xf32, #tpu.memory_space<vmem>>, vector<16xf32>,
        %swap3A_387 = arith.index_cast %scan3A_351 : i32 to index
        %swap3A_388 = arith.constant 48 : index
        %swap3A_389 = tpu.vector_load %arg8[%swap3A_387, %swap3A_388] {strides = array<i32>} : memref<256x128xf32, #tpu.memory_space<vmem>>, vector<16xf32>,
        tpu.vector_store %arg8[%swap3A_387, %swap3A_388], %get3A_386 {strides = array<i32>} : memref<256x128xf32, #tpu.memory_space<vmem>>, vector<16xf32>,
        %mul3A_390 = arith.constant 8 : i32
        %mul3A_391 = arith.muli %scan3A_351, %mul3A_390 : i32
        %add3A_392 = arith.constant 4 : i32
        %add3A_393 = arith.addi %mul3A_391, %add3A_392 : i32
        %get3A_394 = arith.index_cast %add3A_393 : i32 to index
        %get3A_395 = arith.constant 0 : index
        %get3A_396 = tpu.vector_load %arg7[%get3A_394, %get3A_395] {strides = array<i32>} : memref<2048x16xf32, #tpu.memory_space<vmem>>, vector<16xf32>,
        %swap3A_397 = arith.index_cast %scan3A_351 : i32 to index
        %swap3A_398 = arith.constant 64 : index
        %swap3A_399 = tpu.vector_load %arg8[%swap3A_397, %swap3A_398] {strides = array<i32>} : memref<256x128xf32, #tpu.memory_space<vmem>>, vector<16xf32>,
        tpu.vector_store %arg8[%swap3A_397, %swap3A_398], %get3A_396 {strides = array<i32>} : memref<256x128xf32, #tpu.memory_space<vmem>>, vector<16xf32>,
        %mul3A_400 = arith.constant 8 : i32
        %mul3A_401 = arith.muli %scan3A_351, %mul3A_400 : i32
        %add3A_402 = arith.constant 5 : i32
        %add3A_403 = arith.addi %mul3A_401, %add3A_402 : i32
        %get3A_404 = arith.index_cast %add3A_403 : i32 to index
        %get3A_405 = arith.constant 0 : index
        %get3A_406 = tpu.vector_load %arg7[%get3A_404, %get3A_405] {strides = array<i32>} : memref<2048x16xf32, #tpu.memory_space<vmem>>, vector<16xf32>,
        %swap3A_407 = arith.index_cast %scan3A_351 : i32 to index
        %swap3A_408 = arith.constant 80 : index
        %swap3A_409 = tpu.vector_load %arg8[%swap3A_407, %swap3A_408] {strides = array<i32>} : memref<256x128xf32, #tpu.memory_space<vmem>>, vector<16xf32>,
        tpu.vector_store %arg8[%swap3A_407, %swap3A_408], %get3A_406 {strides = array<i32>} : memref<256x128xf32, #tpu.memory_space<vmem>>, vector<16xf32>,
        %mul3A_410 = arith.constant 8 : i32
        %mul3A_411 = arith.muli %scan3A_351, %mul3A_410 : i32
        %add3A_412 = arith.constant 6 : i32
        %add3A_413 = arith.addi %mul3A_411, %add3A_412 : i32
        %get3A_414 = arith.index_cast %add3A_413 : i32 to index
        %get3A_415 = arith.constant 0 : index
        %get3A_416 = tpu.vector_load %arg7[%get3A_414, %get3A_415] {strides = array<i32>} : memref<2048x16xf32, #tpu.memory_space<vmem>>, vector<16xf32>,
        %swap3A_417 = arith.index_cast %scan3A_351 : i32 to index
        %swap3A_418 = arith.constant 96 : index
        %swap3A_419 = tpu.vector_load %arg8[%swap3A_417, %swap3A_418] {strides = array<i32>} : memref<256x128xf32, #tpu.memory_space<vmem>>, vector<16xf32>,
        tpu.vector_store %arg8[%swap3A_417, %swap3A_418], %get3A_416 {strides = array<i32>} : memref<256x128xf32, #tpu.memory_space<vmem>>, vector<16xf32>,
        %mul3A_420 = arith.constant 8 : i32
        %mul3A_421 = arith.muli %scan3A_351, %mul3A_420 : i32
        %add3A_422 = arith.constant 7 : i32
        %add3A_423 = arith.addi %mul3A_421, %add3A_422 : i32
        %get3A_424 = arith.index_cast %add3A_423 : i32 to index
        %get3A_425 = arith.constant 0 : index
        %get3A_426 = tpu.vector_load %arg7[%get3A_424, %get3A_425] {strides = array<i32>} : memref<2048x16xf32, #tpu.memory_space<vmem>>, vector<16xf32>,
        %swap3A_427 = arith.index_cast %scan3A_351 : i32 to index
        %swap3A_428 = arith.constant 112 : index
        %swap3A_429 = tpu.vector_load %arg8[%swap3A_427, %swap3A_428] {strides = array<i32>} : memref<256x128xf32, #tpu.memory_space<vmem>>, vector<16xf32>,
        tpu.vector_store %arg8[%swap3A_427, %swap3A_428], %get3A_426 {strides = array<i32>} : memref<256x128xf32, #tpu.memory_space<vmem>>, vector<16xf32>,
      }
      %scan3A_345 = arith.constant 256 : i32
      %mul3A_346 = arith.constant 4 : i32
      %mul3A_347 = arith.muli %add3A, %mul3A_346 : i32
      %add3A_348 = arith.addi %mul3A_347, %scan3A_10 : i32
      %mul3A_349 = arith.constant 256 : i32
      %mul3A_350 = arith.muli %add3A_348, %mul3A_349 : i32
      "tpu.region"() ({
        %run_scoped3A = tpu.sem_alloc : memref<!tpu.dma_semaphore, #tpu.memory_space<semaphore_mem>>
        %dma_start3A_351 = arith.constant 0 : i32
        %dma_start3A_352 = tpu.memref_slice %arg4[%mul3A_350, %dma_start3A_351] : memref<32768x128xf32, #tpu.memory_space<hbm>> -> memref<256x128xf32, #tpu.memory_space<hbm>>
        %dma_start3A_353 = arith.constant 0 : i32
        %dma_start3A_354 = tpu.memref_slice %arg4[%mul3A_350, %dma_start3A_353] : memref<32768x128xf32, #tpu.memory_space<hbm>> -> memref<256x128xf32, #tpu.memory_space<hbm>>
        tpu.enqueue_dma source(%arg8 : memref<256x128xf32, #tpu.memory_space<vmem>>) target(%dma_start3A_354 : memref<256x128xf32, #tpu.memory_space<hbm>>) target_semaphore(%run_scoped3A : memref<!tpu.dma_semaphore, #tpu.memory_space<semaphore_mem>>)
        %dma_wait3A_355 = arith.constant 0 : i32
        %dma_wait3A_356 = tpu.memref_slice %arg4[%mul3A_350, %dma_wait3A_355] : memref<32768x128xf32, #tpu.memory_space<hbm>> -> memref<256x128xf32, #tpu.memory_space<hbm>>
        %dma_wait3A_357 = arith.constant 0 : i32
        %dma_wait3A_358 = tpu.memref_slice %arg4[%mul3A_350, %dma_wait3A_357] : memref<32768x128xf32, #tpu.memory_space<hbm>> -> memref<256x128xf32, #tpu.memory_space<hbm>>
        tpu.wait_dma2 semaphore(%run_scoped3A : memref<!tpu.dma_semaphore, #tpu.memory_space<semaphore_mem>>) src(%arg8 : memref<256x128xf32, #tpu.memory_space<vmem>>) dst(%dma_wait3A_358 : memref<256x128xf32, #tpu.memory_space<hbm>>)
        tpu.yield
      }) : () -> ()
    }
    %scan3A_9 = arith.constant 4 : i32
    return
  }
}

#map = affine_map<(d0, d1) -> (0, 0)>
module attributes {stable_mosaic.version = 14 : i64} {
  func.func @gather_k(%arg0: i32, %arg1: i32, %arg2: memref<2600000x16xf32, #tpu.memory_space<hbm>>, %arg3: memref<8192x26xi32, #tpu.memory_space<hbm>>, %arg4: memref<32768x128xf32, #tpu.memory_space<hbm>>, %arg5: memref<64x26xi32, #tpu.memory_space<vmem>>, %arg6: memref<16x128xi32, #tpu.memory_space<vmem>>, %arg7: memref<2048x16xf32, #tpu.memory_space<vmem>>, %arg8: memref<256x128xf32, #tpu.memory_space<vmem>>, %arg9: memref<!tpu.dma_semaphore, #tpu.memory_space<semaphore_mem>>) attributes {dimension_semantics = [#tpu.dimension_semantics<core_parallel>, #tpu.dimension_semantics<subcore_parallel>], iteration_bounds = array<i64: 2, 16>, scalar_prefetch = 0 : i64, scratch_operands = 5 : i64, tpu.core_type = #tpu.core_type<sc_vector_subcore>, window_params = [{transform_indices = #map}, {transform_indices = #map}, {transform_indices = #map}]} {
    %mul3A = arith.constant 2 : i32
    %mul3A_0 = arith.muli %arg1, %mul3A : i32
    %add3A = arith.addi %mul3A_0, %arg0 : i32
    %iota3A = tpu.iota {dimensions = array<i32: 0>} : vector<16xi32>
    %shift_right_logical3A = arith.constant 3 : i32
    %shift_right_logical3A_1 = vector.broadcast %shift_right_logical3A : i32 to vector<16xi32>
    %shift_right_logical3A_2 = arith.shrui %iota3A, %shift_right_logical3A_1 : vector<16xi32>
    %and3A = arith.constant 7 : i32
    %and3A_3 = vector.broadcast %and3A : i32 to vector<16xi32>
    %and3A_4 = arith.andi %iota3A, %and3A_3 : vector<16xi32>
    %scan3A = arith.constant 0 : i32
    %scan3A_5 = arith.constant 0 : i32
    %scan3A_6 = arith.constant 4 : i32
    %scan3A_7 = arith.addi %scan3A_5, %scan3A_6 : i32
    %scan3A_8 = arith.constant 1 : i32
    scf.for %scan3A_10 = %scan3A_5 to %scan3A_7 step %scan3A_8  : i32 {
      %mul3A_11 = arith.constant 256 : i32
      %mul3A_12 = arith.muli %add3A, %mul3A_11 : i32
      %mul3A_13 = arith.constant 64 : i32
      %mul3A_14 = arith.muli %scan3A_10, %mul3A_13 : i32
      %add3A_15 = arith.addi %mul3A_12, %mul3A_14 : i32
      "tpu.region"() ({
        %run_scoped3A = tpu.sem_alloc : memref<!tpu.dma_semaphore, #tpu.memory_space<semaphore_mem>>
        %dma_start3A_351 = arith.constant 0 : i32
        %dma_start3A_352 = tpu.memref_slice %arg3[%add3A_15, %dma_start3A_351] : memref<8192x26xi32, #tpu.memory_space<hbm>> -> memref<64x26xi32, #tpu.memory_space<hbm>>
        %dma_start3A_353 = arith.constant 0 : i32
        %dma_start3A_354 = tpu.memref_slice %arg3[%add3A_15, %dma_start3A_353] : memref<8192x26xi32, #tpu.memory_space<hbm>> -> memref<64x26xi32, #tpu.memory_space<hbm>>
        tpu.enqueue_dma source(%dma_start3A_354 : memref<64x26xi32, #tpu.memory_space<hbm>>) target(%arg5 : memref<64x26xi32, #tpu.memory_space<vmem>>) target_semaphore(%run_scoped3A : memref<!tpu.dma_semaphore, #tpu.memory_space<semaphore_mem>>)
        %dma_wait3A_355 = arith.constant 0 : i32
        %dma_wait3A_356 = tpu.memref_slice %arg3[%add3A_15, %dma_wait3A_355] : memref<8192x26xi32, #tpu.memory_space<hbm>> -> memref<64x26xi32, #tpu.memory_space<hbm>>
        %dma_wait3A_357 = arith.constant 0 : i32
        %dma_wait3A_358 = tpu.memref_slice %arg3[%add3A_15, %dma_wait3A_357] : memref<8192x26xi32, #tpu.memory_space<hbm>> -> memref<64x26xi32, #tpu.memory_space<hbm>>
        tpu.wait_dma2 semaphore(%run_scoped3A : memref<!tpu.dma_semaphore, #tpu.memory_space<semaphore_mem>>) src(%dma_wait3A_358 : memref<64x26xi32, #tpu.memory_space<hbm>>) dst(%arg5 : memref<64x26xi32, #tpu.memory_space<vmem>>)
        tpu.yield
      }) : () -> ()
      %scan3A_16 = arith.constant 0 : i32
      %scan3A_17 = arith.constant 0 : i32
      %scan3A_18 = arith.constant 128 : i32
      %scan3A_19 = arith.addi %scan3A_17, %scan3A_18 : i32
      %scan3A_20 = arith.constant 1 : i32
      scf.for %scan3A_351 = %scan3A_17 to %scan3A_19 step %scan3A_20  : i32 {
        %shift_right_logical3A_352 = arith.constant 4 : i32
        %shift_right_logical3A_353 = arith.shrui %scan3A_351, %shift_right_logical3A_352 : i32
        %shift_right_logical3A_354 = arith.constant 2 : i32
        %shift_right_logical3A_355 = arith.shrui %scan3A_351, %shift_right_logical3A_354 : i32
        %and3A_356 = arith.constant 3 : i32
        %and3A_357 = arith.andi %shift_right_logical3A_355, %and3A_356 : i32
        %and3A_358 = arith.constant 3 : i32
        %and3A_359 = arith.andi %scan3A_351, %and3A_358 : i32
        %mul3A_360 = arith.constant 2 : i32
        %mul3A_361 = arith.muli %and3A_359, %mul3A_360 : i32
        %mul3A_362 = arith.constant 8 : i32
        %mul3A_363 = arith.muli %mul3A_362, %shift_right_logical3A_353 : i32
        %add3A_364 = arith.addi %mul3A_363, %mul3A_361 : i32
        %broadcast_in_dim3A = vector.broadcast %add3A_364 : i32 to vector<16xi32>
        %add3A_365 = arith.addi %broadcast_in_dim3A, %shift_right_logical3A_2 : vector<16xi32>
        %mul3A_366 = arith.constant 8 : i32
        %mul3A_367 = arith.muli %mul3A_366, %and3A_357 : i32
        %broadcast_in_dim3A_368 = vector.broadcast %mul3A_367 : i32 to vector<16xi32>
        %add3A_369 = arith.addi %broadcast_in_dim3A_368, %and3A_4 : vector<16xi32>
        %lt3A = arith.constant 26 : i32
        %lt3A_370 = vector.broadcast %lt3A : i32 to vector<16xi32>
        %lt3A_371 = arith.cmpi slt, %add3A_369, %lt3A_370 : vector<16xi32>
        %min3A = arith.constant 25 : i32
        %min3A_372 = vector.broadcast %min3A : i32 to vector<16xi32>
        %min3A_373 = arith.minsi %add3A_369, %min3A_372 : vector<16xi32>
        %gather3A = tpu.vector_load_idx %arg5[%add3A_365, %min3A_373] : memref<64x26xi32, #tpu.memory_space<vmem>>[vector<16xi32>, vector<16xi32>], vector<16xi32>,
        %mul3A_374 = arith.constant 100000 : i32
        %mul3A_375 = vector.broadcast %mul3A_374 : i32 to vector<16xi32>
        %mul3A_376 = arith.muli %add3A_369, %mul3A_375 : vector<16xi32>
        %add3A_377 = arith.addi %gather3A, %mul3A_376 : vector<16xi32>
        %add3A_378 = vector.broadcast %add3A_15 : i32 to vector<16xi32>
        %add3A_379 = arith.addi %add3A_365, %add3A_378 : vector<16xi32>
        %mul3A_380 = arith.constant 6 : i32
        %mul3A_381 = vector.broadcast %mul3A_380 : i32 to vector<16xi32>
        %mul3A_382 = arith.muli %add3A_379, %mul3A_381 : vector<16xi32>
        %sub3A = arith.constant 26 : i32
        %sub3A_383 = vector.broadcast %sub3A : i32 to vector<16xi32>
        %sub3A_384 = arith.subi %add3A_369, %sub3A_383 : vector<16xi32>
        %add3A_385 = arith.addi %mul3A_382, %sub3A_384 : vector<16xi32>
        %select_n3A = arith.select %lt3A_371, %add3A_377, %add3A_385 : vector<16xi1>, vector<16xi32>
        %shift_right_logical3A_386 = arith.constant 3 : i32
        %shift_right_logical3A_387 = arith.shrui %scan3A_351, %shift_right_logical3A_386 : i32
        %and3A_388 = arith.constant 7 : i32
        %and3A_389 = arith.andi %scan3A_351, %and3A_388 : i32
        %mul3A_390 = arith.constant 16 : i32
        %mul3A_391 = arith.muli %and3A_389, %mul3A_390 : i32
        %swap3A = arith.index_cast %shift_right_logical3A_387 : i32 to index
        %swap3A_392 = arith.index_cast %mul3A_391 : i32 to index
        %swap3A_393 = tpu.vector_load %arg6[%swap3A, %swap3A_392] {strides = array<i32>} : memref<16x128xi32, #tpu.memory_space<vmem>>, vector<16xi32>,
        tpu.vector_store %arg6[%swap3A, %swap3A_392], %select_n3A {strides = array<i32>} : memref<16x128xi32, #tpu.memory_space<vmem>>, vector<16xi32>,
      }
      %scan3A_21 = arith.constant 128 : i32
      %dma_start3A = arith.constant 0 : i32
      %dma_start3A_22 = arith.constant 0 : i32
      %dma_start3A_23 = arith.constant 0 : i32
      %dma_start3A_24 = tpu.memref_slice %arg7[%dma_start3A_22, %dma_start3A_23] : memref<2048x16xf32, #tpu.memory_space<vmem>> -> memref<128x16xf32, #tpu.memory_space<vmem>>
      %dma_start3A_25 = arith.constant 0 : i32
      %dma_start3A_26 = tpu.memref_slice %arg6[%dma_start3A, %dma_start3A_25] : memref<16x128xi32, #tpu.memory_space<vmem>> -> memref<1x128xi32, #tpu.memory_space<vmem>>
      %dma_start3A_27 = tpu.memref_squeeze %dma_start3A_26 : memref<1x128xi32, #tpu.memory_space<vmem>> -> memref<128xi32, #tpu.memory_space<vmem>>
      %dma_start3A_28 = arith.constant 0 : i32
      %dma_start3A_29 = arith.constant 0 : i32
      %dma_start3A_30 = tpu.memref_slice %arg2[%dma_start3A_28, %dma_start3A_29] : memref<2600000x16xf32, #tpu.memory_space<hbm>> -> memref<2600000x16xf32, #tpu.memory_space<hbm>>
      tpu.enqueue_indirect_dma source(%dma_start3A_30 : memref<2600000x16xf32, #tpu.memory_space<hbm>>) target(%dma_start3A_24 : memref<128x16xf32, #tpu.memory_space<vmem>>) offsets(%dma_start3A_27 : memref<128xi32, #tpu.memory_space<vmem>>) semaphore(%arg9 : memref<!tpu.dma_semaphore, #tpu.memory_space<semaphore_mem>>)
      %dma_start3A_31 = arith.constant 1 : i32
      %dma_start3A_32 = arith.constant 128 : i32
      %dma_start3A_33 = arith.constant 0 : i32
      %dma_start3A_34 = tpu.memref_slice %arg7[%dma_start3A_32, %dma_start3A_33] : memref<2048x16xf32, #tpu.memory_space<vmem>> -> memref<128x16xf32, #tpu.memory_space<vmem>>
      %dma_start3A_35 = arith.constant 0 : i32
      %dma_start3A_36 = tpu.memref_slice %arg6[%dma_start3A_31, %dma_start3A_35] : memref<16x128xi32, #tpu.memory_space<vmem>> -> memref<1x128xi32, #tpu.memory_space<vmem>>
      %dma_start3A_37 = tpu.memref_squeeze %dma_start3A_36 : memref<1x128xi32, #tpu.memory_space<vmem>> -> memref<128xi32, #tpu.memory_space<vmem>>
      %dma_start3A_38 = arith.constant 0 : i32
      %dma_start3A_39 = arith.constant 0 : i32
      %dma_start3A_40 = tpu.memref_slice %arg2[%dma_start3A_38, %dma_start3A_39] : memref<2600000x16xf32, #tpu.memory_space<hbm>> -> memref<2600000x16xf32, #tpu.memory_space<hbm>>
      tpu.enqueue_indirect_dma source(%dma_start3A_40 : memref<2600000x16xf32, #tpu.memory_space<hbm>>) target(%dma_start3A_34 : memref<128x16xf32, #tpu.memory_space<vmem>>) offsets(%dma_start3A_37 : memref<128xi32, #tpu.memory_space<vmem>>) semaphore(%arg9 : memref<!tpu.dma_semaphore, #tpu.memory_space<semaphore_mem>>)
      %dma_start3A_41 = arith.constant 2 : i32
      %dma_start3A_42 = arith.constant 256 : i32
      %dma_start3A_43 = arith.constant 0 : i32
      %dma_start3A_44 = tpu.memref_slice %arg7[%dma_start3A_42, %dma_start3A_43] : memref<2048x16xf32, #tpu.memory_space<vmem>> -> memref<128x16xf32, #tpu.memory_space<vmem>>
      %dma_start3A_45 = arith.constant 0 : i32
      %dma_start3A_46 = tpu.memref_slice %arg6[%dma_start3A_41, %dma_start3A_45] : memref<16x128xi32, #tpu.memory_space<vmem>> -> memref<1x128xi32, #tpu.memory_space<vmem>>
      %dma_start3A_47 = tpu.memref_squeeze %dma_start3A_46 : memref<1x128xi32, #tpu.memory_space<vmem>> -> memref<128xi32, #tpu.memory_space<vmem>>
      %dma_start3A_48 = arith.constant 0 : i32
      %dma_start3A_49 = arith.constant 0 : i32
      %dma_start3A_50 = tpu.memref_slice %arg2[%dma_start3A_48, %dma_start3A_49] : memref<2600000x16xf32, #tpu.memory_space<hbm>> -> memref<2600000x16xf32, #tpu.memory_space<hbm>>
      tpu.enqueue_indirect_dma source(%dma_start3A_50 : memref<2600000x16xf32, #tpu.memory_space<hbm>>) target(%dma_start3A_44 : memref<128x16xf32, #tpu.memory_space<vmem>>) offsets(%dma_start3A_47 : memref<128xi32, #tpu.memory_space<vmem>>) semaphore(%arg9 : memref<!tpu.dma_semaphore, #tpu.memory_space<semaphore_mem>>)
      %dma_start3A_51 = arith.constant 3 : i32
      %dma_start3A_52 = arith.constant 384 : i32
      %dma_start3A_53 = arith.constant 0 : i32
      %dma_start3A_54 = tpu.memref_slice %arg7[%dma_start3A_52, %dma_start3A_53] : memref<2048x16xf32, #tpu.memory_space<vmem>> -> memref<128x16xf32, #tpu.memory_space<vmem>>
      %dma_start3A_55 = arith.constant 0 : i32
      %dma_start3A_56 = tpu.memref_slice %arg6[%dma_start3A_51, %dma_start3A_55] : memref<16x128xi32, #tpu.memory_space<vmem>> -> memref<1x128xi32, #tpu.memory_space<vmem>>
      %dma_start3A_57 = tpu.memref_squeeze %dma_start3A_56 : memref<1x128xi32, #tpu.memory_space<vmem>> -> memref<128xi32, #tpu.memory_space<vmem>>
      %dma_start3A_58 = arith.constant 0 : i32
      %dma_start3A_59 = arith.constant 0 : i32
      %dma_start3A_60 = tpu.memref_slice %arg2[%dma_start3A_58, %dma_start3A_59] : memref<2600000x16xf32, #tpu.memory_space<hbm>> -> memref<2600000x16xf32, #tpu.memory_space<hbm>>
      tpu.enqueue_indirect_dma source(%dma_start3A_60 : memref<2600000x16xf32, #tpu.memory_space<hbm>>) target(%dma_start3A_54 : memref<128x16xf32, #tpu.memory_space<vmem>>) offsets(%dma_start3A_57 : memref<128xi32, #tpu.memory_space<vmem>>) semaphore(%arg9 : memref<!tpu.dma_semaphore, #tpu.memory_space<semaphore_mem>>)
      %dma_start3A_61 = arith.constant 4 : i32
      %dma_start3A_62 = arith.constant 512 : i32
      %dma_start3A_63 = arith.constant 0 : i32
      %dma_start3A_64 = tpu.memref_slice %arg7[%dma_start3A_62, %dma_start3A_63] : memref<2048x16xf32, #tpu.memory_space<vmem>> -> memref<128x16xf32, #tpu.memory_space<vmem>>
      %dma_start3A_65 = arith.constant 0 : i32
      %dma_start3A_66 = tpu.memref_slice %arg6[%dma_start3A_61, %dma_start3A_65] : memref<16x128xi32, #tpu.memory_space<vmem>> -> memref<1x128xi32, #tpu.memory_space<vmem>>
      %dma_start3A_67 = tpu.memref_squeeze %dma_start3A_66 : memref<1x128xi32, #tpu.memory_space<vmem>> -> memref<128xi32, #tpu.memory_space<vmem>>
      %dma_start3A_68 = arith.constant 0 : i32
      %dma_start3A_69 = arith.constant 0 : i32
      %dma_start3A_70 = tpu.memref_slice %arg2[%dma_start3A_68, %dma_start3A_69] : memref<2600000x16xf32, #tpu.memory_space<hbm>> -> memref<2600000x16xf32, #tpu.memory_space<hbm>>
      tpu.enqueue_indirect_dma source(%dma_start3A_70 : memref<2600000x16xf32, #tpu.memory_space<hbm>>) target(%dma_start3A_64 : memref<128x16xf32, #tpu.memory_space<vmem>>) offsets(%dma_start3A_67 : memref<128xi32, #tpu.memory_space<vmem>>) semaphore(%arg9 : memref<!tpu.dma_semaphore, #tpu.memory_space<semaphore_mem>>)
      %dma_start3A_71 = arith.constant 5 : i32
      %dma_start3A_72 = arith.constant 640 : i32
      %dma_start3A_73 = arith.constant 0 : i32
      %dma_start3A_74 = tpu.memref_slice %arg7[%dma_start3A_72, %dma_start3A_73] : memref<2048x16xf32, #tpu.memory_space<vmem>> -> memref<128x16xf32, #tpu.memory_space<vmem>>
      %dma_start3A_75 = arith.constant 0 : i32
      %dma_start3A_76 = tpu.memref_slice %arg6[%dma_start3A_71, %dma_start3A_75] : memref<16x128xi32, #tpu.memory_space<vmem>> -> memref<1x128xi32, #tpu.memory_space<vmem>>
      %dma_start3A_77 = tpu.memref_squeeze %dma_start3A_76 : memref<1x128xi32, #tpu.memory_space<vmem>> -> memref<128xi32, #tpu.memory_space<vmem>>
      %dma_start3A_78 = arith.constant 0 : i32
      %dma_start3A_79 = arith.constant 0 : i32
      %dma_start3A_80 = tpu.memref_slice %arg2[%dma_start3A_78, %dma_start3A_79] : memref<2600000x16xf32, #tpu.memory_space<hbm>> -> memref<2600000x16xf32, #tpu.memory_space<hbm>>
      tpu.enqueue_indirect_dma source(%dma_start3A_80 : memref<2600000x16xf32, #tpu.memory_space<hbm>>) target(%dma_start3A_74 : memref<128x16xf32, #tpu.memory_space<vmem>>) offsets(%dma_start3A_77 : memref<128xi32, #tpu.memory_space<vmem>>) semaphore(%arg9 : memref<!tpu.dma_semaphore, #tpu.memory_space<semaphore_mem>>)
      %dma_start3A_81 = arith.constant 6 : i32
      %dma_start3A_82 = arith.constant 768 : i32
      %dma_start3A_83 = arith.constant 0 : i32
      %dma_start3A_84 = tpu.memref_slice %arg7[%dma_start3A_82, %dma_start3A_83] : memref<2048x16xf32, #tpu.memory_space<vmem>> -> memref<128x16xf32, #tpu.memory_space<vmem>>
      %dma_start3A_85 = arith.constant 0 : i32
      %dma_start3A_86 = tpu.memref_slice %arg6[%dma_start3A_81, %dma_start3A_85] : memref<16x128xi32, #tpu.memory_space<vmem>> -> memref<1x128xi32, #tpu.memory_space<vmem>>
      %dma_start3A_87 = tpu.memref_squeeze %dma_start3A_86 : memref<1x128xi32, #tpu.memory_space<vmem>> -> memref<128xi32, #tpu.memory_space<vmem>>
      %dma_start3A_88 = arith.constant 0 : i32
      %dma_start3A_89 = arith.constant 0 : i32
      %dma_start3A_90 = tpu.memref_slice %arg2[%dma_start3A_88, %dma_start3A_89] : memref<2600000x16xf32, #tpu.memory_space<hbm>> -> memref<2600000x16xf32, #tpu.memory_space<hbm>>
      tpu.enqueue_indirect_dma source(%dma_start3A_90 : memref<2600000x16xf32, #tpu.memory_space<hbm>>) target(%dma_start3A_84 : memref<128x16xf32, #tpu.memory_space<vmem>>) offsets(%dma_start3A_87 : memref<128xi32, #tpu.memory_space<vmem>>) semaphore(%arg9 : memref<!tpu.dma_semaphore, #tpu.memory_space<semaphore_mem>>)
      %dma_start3A_91 = arith.constant 7 : i32
      %dma_start3A_92 = arith.constant 896 : i32
      %dma_start3A_93 = arith.constant 0 : i32
      %dma_start3A_94 = tpu.memref_slice %arg7[%dma_start3A_92, %dma_start3A_93] : memref<2048x16xf32, #tpu.memory_space<vmem>> -> memref<128x16xf32, #tpu.memory_space<vmem>>
      %dma_start3A_95 = arith.constant 0 : i32
      %dma_start3A_96 = tpu.memref_slice %arg6[%dma_start3A_91, %dma_start3A_95] : memref<16x128xi32, #tpu.memory_space<vmem>> -> memref<1x128xi32, #tpu.memory_space<vmem>>
      %dma_start3A_97 = tpu.memref_squeeze %dma_start3A_96 : memref<1x128xi32, #tpu.memory_space<vmem>> -> memref<128xi32, #tpu.memory_space<vmem>>
      %dma_start3A_98 = arith.constant 0 : i32
      %dma_start3A_99 = arith.constant 0 : i32
      %dma_start3A_100 = tpu.memref_slice %arg2[%dma_start3A_98, %dma_start3A_99] : memref<2600000x16xf32, #tpu.memory_space<hbm>> -> memref<2600000x16xf32, #tpu.memory_space<hbm>>
      tpu.enqueue_indirect_dma source(%dma_start3A_100 : memref<2600000x16xf32, #tpu.memory_space<hbm>>) target(%dma_start3A_94 : memref<128x16xf32, #tpu.memory_space<vmem>>) offsets(%dma_start3A_97 : memref<128xi32, #tpu.memory_space<vmem>>) semaphore(%arg9 : memref<!tpu.dma_semaphore, #tpu.memory_space<semaphore_mem>>)
      %dma_start3A_101 = arith.constant 8 : i32
      %dma_start3A_102 = arith.constant 1024 : i32
      %dma_start3A_103 = arith.constant 0 : i32
      %dma_start3A_104 = tpu.memref_slice %arg7[%dma_start3A_102, %dma_start3A_103] : memref<2048x16xf32, #tpu.memory_space<vmem>> -> memref<128x16xf32, #tpu.memory_space<vmem>>
      %dma_start3A_105 = arith.constant 0 : i32
      %dma_start3A_106 = tpu.memref_slice %arg6[%dma_start3A_101, %dma_start3A_105] : memref<16x128xi32, #tpu.memory_space<vmem>> -> memref<1x128xi32, #tpu.memory_space<vmem>>
      %dma_start3A_107 = tpu.memref_squeeze %dma_start3A_106 : memref<1x128xi32, #tpu.memory_space<vmem>> -> memref<128xi32, #tpu.memory_space<vmem>>
      %dma_start3A_108 = arith.constant 0 : i32
      %dma_start3A_109 = arith.constant 0 : i32
      %dma_start3A_110 = tpu.memref_slice %arg2[%dma_start3A_108, %dma_start3A_109] : memref<2600000x16xf32, #tpu.memory_space<hbm>> -> memref<2600000x16xf32, #tpu.memory_space<hbm>>
      tpu.enqueue_indirect_dma source(%dma_start3A_110 : memref<2600000x16xf32, #tpu.memory_space<hbm>>) target(%dma_start3A_104 : memref<128x16xf32, #tpu.memory_space<vmem>>) offsets(%dma_start3A_107 : memref<128xi32, #tpu.memory_space<vmem>>) semaphore(%arg9 : memref<!tpu.dma_semaphore, #tpu.memory_space<semaphore_mem>>)
      %dma_start3A_111 = arith.constant 9 : i32
      %dma_start3A_112 = arith.constant 1152 : i32
      %dma_start3A_113 = arith.constant 0 : i32
      %dma_start3A_114 = tpu.memref_slice %arg7[%dma_start3A_112, %dma_start3A_113] : memref<2048x16xf32, #tpu.memory_space<vmem>> -> memref<128x16xf32, #tpu.memory_space<vmem>>
      %dma_start3A_115 = arith.constant 0 : i32
      %dma_start3A_116 = tpu.memref_slice %arg6[%dma_start3A_111, %dma_start3A_115] : memref<16x128xi32, #tpu.memory_space<vmem>> -> memref<1x128xi32, #tpu.memory_space<vmem>>
      %dma_start3A_117 = tpu.memref_squeeze %dma_start3A_116 : memref<1x128xi32, #tpu.memory_space<vmem>> -> memref<128xi32, #tpu.memory_space<vmem>>
      %dma_start3A_118 = arith.constant 0 : i32
      %dma_start3A_119 = arith.constant 0 : i32
      %dma_start3A_120 = tpu.memref_slice %arg2[%dma_start3A_118, %dma_start3A_119] : memref<2600000x16xf32, #tpu.memory_space<hbm>> -> memref<2600000x16xf32, #tpu.memory_space<hbm>>
      tpu.enqueue_indirect_dma source(%dma_start3A_120 : memref<2600000x16xf32, #tpu.memory_space<hbm>>) target(%dma_start3A_114 : memref<128x16xf32, #tpu.memory_space<vmem>>) offsets(%dma_start3A_117 : memref<128xi32, #tpu.memory_space<vmem>>) semaphore(%arg9 : memref<!tpu.dma_semaphore, #tpu.memory_space<semaphore_mem>>)
      %dma_start3A_121 = arith.constant 10 : i32
      %dma_start3A_122 = arith.constant 1280 : i32
      %dma_start3A_123 = arith.constant 0 : i32
      %dma_start3A_124 = tpu.memref_slice %arg7[%dma_start3A_122, %dma_start3A_123] : memref<2048x16xf32, #tpu.memory_space<vmem>> -> memref<128x16xf32, #tpu.memory_space<vmem>>
      %dma_start3A_125 = arith.constant 0 : i32
      %dma_start3A_126 = tpu.memref_slice %arg6[%dma_start3A_121, %dma_start3A_125] : memref<16x128xi32, #tpu.memory_space<vmem>> -> memref<1x128xi32, #tpu.memory_space<vmem>>
      %dma_start3A_127 = tpu.memref_squeeze %dma_start3A_126 : memref<1x128xi32, #tpu.memory_space<vmem>> -> memref<128xi32, #tpu.memory_space<vmem>>
      %dma_start3A_128 = arith.constant 0 : i32
      %dma_start3A_129 = arith.constant 0 : i32
      %dma_start3A_130 = tpu.memref_slice %arg2[%dma_start3A_128, %dma_start3A_129] : memref<2600000x16xf32, #tpu.memory_space<hbm>> -> memref<2600000x16xf32, #tpu.memory_space<hbm>>
      tpu.enqueue_indirect_dma source(%dma_start3A_130 : memref<2600000x16xf32, #tpu.memory_space<hbm>>) target(%dma_start3A_124 : memref<128x16xf32, #tpu.memory_space<vmem>>) offsets(%dma_start3A_127 : memref<128xi32, #tpu.memory_space<vmem>>) semaphore(%arg9 : memref<!tpu.dma_semaphore, #tpu.memory_space<semaphore_mem>>)
      %dma_start3A_131 = arith.constant 11 : i32
      %dma_start3A_132 = arith.constant 1408 : i32
      %dma_start3A_133 = arith.constant 0 : i32
      %dma_start3A_134 = tpu.memref_slice %arg7[%dma_start3A_132, %dma_start3A_133] : memref<2048x16xf32, #tpu.memory_space<vmem>> -> memref<128x16xf32, #tpu.memory_space<vmem>>
      %dma_start3A_135 = arith.constant 0 : i32
      %dma_start3A_136 = tpu.memref_slice %arg6[%dma_start3A_131, %dma_start3A_135] : memref<16x128xi32, #tpu.memory_space<vmem>> -> memref<1x128xi32, #tpu.memory_space<vmem>>
      %dma_start3A_137 = tpu.memref_squeeze %dma_start3A_136 : memref<1x128xi32, #tpu.memory_space<vmem>> -> memref<128xi32, #tpu.memory_space<vmem>>
      %dma_start3A_138 = arith.constant 0 : i32
      %dma_start3A_139 = arith.constant 0 : i32
      %dma_start3A_140 = tpu.memref_slice %arg2[%dma_start3A_138, %dma_start3A_139] : memref<2600000x16xf32, #tpu.memory_space<hbm>> -> memref<2600000x16xf32, #tpu.memory_space<hbm>>
      tpu.enqueue_indirect_dma source(%dma_start3A_140 : memref<2600000x16xf32, #tpu.memory_space<hbm>>) target(%dma_start3A_134 : memref<128x16xf32, #tpu.memory_space<vmem>>) offsets(%dma_start3A_137 : memref<128xi32, #tpu.memory_space<vmem>>) semaphore(%arg9 : memref<!tpu.dma_semaphore, #tpu.memory_space<semaphore_mem>>)
      %dma_start3A_141 = arith.constant 12 : i32
      %dma_start3A_142 = arith.constant 1536 : i32
      %dma_start3A_143 = arith.constant 0 : i32
      %dma_start3A_144 = tpu.memref_slice %arg7[%dma_start3A_142, %dma_start3A_143] : memref<2048x16xf32, #tpu.memory_space<vmem>> -> memref<128x16xf32, #tpu.memory_space<vmem>>
      %dma_start3A_145 = arith.constant 0 : i32
      %dma_start3A_146 = tpu.memref_slice %arg6[%dma_start3A_141, %dma_start3A_145] : memref<16x128xi32, #tpu.memory_space<vmem>> -> memref<1x128xi32, #tpu.memory_space<vmem>>
      %dma_start3A_147 = tpu.memref_squeeze %dma_start3A_146 : memref<1x128xi32, #tpu.memory_space<vmem>> -> memref<128xi32, #tpu.memory_space<vmem>>
      %dma_start3A_148 = arith.constant 0 : i32
      %dma_start3A_149 = arith.constant 0 : i32
      %dma_start3A_150 = tpu.memref_slice %arg2[%dma_start3A_148, %dma_start3A_149] : memref<2600000x16xf32, #tpu.memory_space<hbm>> -> memref<2600000x16xf32, #tpu.memory_space<hbm>>
      tpu.enqueue_indirect_dma source(%dma_start3A_150 : memref<2600000x16xf32, #tpu.memory_space<hbm>>) target(%dma_start3A_144 : memref<128x16xf32, #tpu.memory_space<vmem>>) offsets(%dma_start3A_147 : memref<128xi32, #tpu.memory_space<vmem>>) semaphore(%arg9 : memref<!tpu.dma_semaphore, #tpu.memory_space<semaphore_mem>>)
      %dma_start3A_151 = arith.constant 13 : i32
      %dma_start3A_152 = arith.constant 1664 : i32
      %dma_start3A_153 = arith.constant 0 : i32
      %dma_start3A_154 = tpu.memref_slice %arg7[%dma_start3A_152, %dma_start3A_153] : memref<2048x16xf32, #tpu.memory_space<vmem>> -> memref<128x16xf32, #tpu.memory_space<vmem>>
      %dma_start3A_155 = arith.constant 0 : i32
      %dma_start3A_156 = tpu.memref_slice %arg6[%dma_start3A_151, %dma_start3A_155] : memref<16x128xi32, #tpu.memory_space<vmem>> -> memref<1x128xi32, #tpu.memory_space<vmem>>
      %dma_start3A_157 = tpu.memref_squeeze %dma_start3A_156 : memref<1x128xi32, #tpu.memory_space<vmem>> -> memref<128xi32, #tpu.memory_space<vmem>>
      %dma_start3A_158 = arith.constant 0 : i32
      %dma_start3A_159 = arith.constant 0 : i32
      %dma_start3A_160 = tpu.memref_slice %arg2[%dma_start3A_158, %dma_start3A_159] : memref<2600000x16xf32, #tpu.memory_space<hbm>> -> memref<2600000x16xf32, #tpu.memory_space<hbm>>
      tpu.enqueue_indirect_dma source(%dma_start3A_160 : memref<2600000x16xf32, #tpu.memory_space<hbm>>) target(%dma_start3A_154 : memref<128x16xf32, #tpu.memory_space<vmem>>) offsets(%dma_start3A_157 : memref<128xi32, #tpu.memory_space<vmem>>) semaphore(%arg9 : memref<!tpu.dma_semaphore, #tpu.memory_space<semaphore_mem>>)
      %dma_start3A_161 = arith.constant 14 : i32
      %dma_start3A_162 = arith.constant 1792 : i32
      %dma_start3A_163 = arith.constant 0 : i32
      %dma_start3A_164 = tpu.memref_slice %arg7[%dma_start3A_162, %dma_start3A_163] : memref<2048x16xf32, #tpu.memory_space<vmem>> -> memref<128x16xf32, #tpu.memory_space<vmem>>
      %dma_start3A_165 = arith.constant 0 : i32
      %dma_start3A_166 = tpu.memref_slice %arg6[%dma_start3A_161, %dma_start3A_165] : memref<16x128xi32, #tpu.memory_space<vmem>> -> memref<1x128xi32, #tpu.memory_space<vmem>>
      %dma_start3A_167 = tpu.memref_squeeze %dma_start3A_166 : memref<1x128xi32, #tpu.memory_space<vmem>> -> memref<128xi32, #tpu.memory_space<vmem>>
      %dma_start3A_168 = arith.constant 0 : i32
      %dma_start3A_169 = arith.constant 0 : i32
      %dma_start3A_170 = tpu.memref_slice %arg2[%dma_start3A_168, %dma_start3A_169] : memref<2600000x16xf32, #tpu.memory_space<hbm>> -> memref<2600000x16xf32, #tpu.memory_space<hbm>>
      tpu.enqueue_indirect_dma source(%dma_start3A_170 : memref<2600000x16xf32, #tpu.memory_space<hbm>>) target(%dma_start3A_164 : memref<128x16xf32, #tpu.memory_space<vmem>>) offsets(%dma_start3A_167 : memref<128xi32, #tpu.memory_space<vmem>>) semaphore(%arg9 : memref<!tpu.dma_semaphore, #tpu.memory_space<semaphore_mem>>)
      %dma_start3A_171 = arith.constant 15 : i32
      %dma_start3A_172 = arith.constant 1920 : i32
      %dma_start3A_173 = arith.constant 0 : i32
      %dma_start3A_174 = tpu.memref_slice %arg7[%dma_start3A_172, %dma_start3A_173] : memref<2048x16xf32, #tpu.memory_space<vmem>> -> memref<128x16xf32, #tpu.memory_space<vmem>>
      %dma_start3A_175 = arith.constant 0 : i32
      %dma_start3A_176 = tpu.memref_slice %arg6[%dma_start3A_171, %dma_start3A_175] : memref<16x128xi32, #tpu.memory_space<vmem>> -> memref<1x128xi32, #tpu.memory_space<vmem>>
      %dma_start3A_177 = tpu.memref_squeeze %dma_start3A_176 : memref<1x128xi32, #tpu.memory_space<vmem>> -> memref<128xi32, #tpu.memory_space<vmem>>
      %dma_start3A_178 = arith.constant 0 : i32
      %dma_start3A_179 = arith.constant 0 : i32
      %dma_start3A_180 = tpu.memref_slice %arg2[%dma_start3A_178, %dma_start3A_179] : memref<2600000x16xf32, #tpu.memory_space<hbm>> -> memref<2600000x16xf32, #tpu.memory_space<hbm>>
      tpu.enqueue_indirect_dma source(%dma_start3A_180 : memref<2600000x16xf32, #tpu.memory_space<hbm>>) target(%dma_start3A_174 : memref<128x16xf32, #tpu.memory_space<vmem>>) offsets(%dma_start3A_177 : memref<128xi32, #tpu.memory_space<vmem>>) semaphore(%arg9 : memref<!tpu.dma_semaphore, #tpu.memory_space<semaphore_mem>>)
      %dma_wait3A = arith.constant 0 : i32
      %dma_wait3A_181 = arith.constant 0 : i32
      %dma_wait3A_182 = arith.constant 0 : i32
      %dma_wait3A_183 = tpu.memref_slice %arg7[%dma_wait3A_181, %dma_wait3A_182] : memref<2048x16xf32, #tpu.memory_space<vmem>> -> memref<128x16xf32, #tpu.memory_space<vmem>>
      %dma_wait3A_184 = arith.constant 0 : i32
      %dma_wait3A_185 = tpu.memref_slice %arg6[%dma_wait3A, %dma_wait3A_184] : memref<16x128xi32, #tpu.memory_space<vmem>> -> memref<1x128xi32, #tpu.memory_space<vmem>>
      %dma_wait3A_186 = tpu.memref_squeeze %dma_wait3A_185 : memref<1x128xi32, #tpu.memory_space<vmem>> -> memref<128xi32, #tpu.memory_space<vmem>>
      %dma_wait3A_187 = arith.constant 0 : i32
      %dma_wait3A_188 = arith.constant 0 : i32
      %dma_wait3A_189 = tpu.memref_slice %arg2[%dma_wait3A_187, %dma_wait3A_188] : memref<2600000x16xf32, #tpu.memory_space<hbm>> -> memref<2600000x16xf32, #tpu.memory_space<hbm>>
      tpu.wait_indirect_dma semaphore(%arg9 : memref<!tpu.dma_semaphore, #tpu.memory_space<semaphore_mem>>) src(%dma_wait3A_189 : memref<2600000x16xf32, #tpu.memory_space<hbm>>) dst(%dma_wait3A_183 : memref<128x16xf32, #tpu.memory_space<vmem>>)
      %dma_wait3A_190 = arith.constant 1 : i32
      %dma_wait3A_191 = arith.constant 128 : i32
      %dma_wait3A_192 = arith.constant 0 : i32
      %dma_wait3A_193 = tpu.memref_slice %arg7[%dma_wait3A_191, %dma_wait3A_192] : memref<2048x16xf32, #tpu.memory_space<vmem>> -> memref<128x16xf32, #tpu.memory_space<vmem>>
      %dma_wait3A_194 = arith.constant 0 : i32
      %dma_wait3A_195 = tpu.memref_slice %arg6[%dma_wait3A_190, %dma_wait3A_194] : memref<16x128xi32, #tpu.memory_space<vmem>> -> memref<1x128xi32, #tpu.memory_space<vmem>>
      %dma_wait3A_196 = tpu.memref_squeeze %dma_wait3A_195 : memref<1x128xi32, #tpu.memory_space<vmem>> -> memref<128xi32, #tpu.memory_space<vmem>>
      %dma_wait3A_197 = arith.constant 0 : i32
      %dma_wait3A_198 = arith.constant 0 : i32
      %dma_wait3A_199 = tpu.memref_slice %arg2[%dma_wait3A_197, %dma_wait3A_198] : memref<2600000x16xf32, #tpu.memory_space<hbm>> -> memref<2600000x16xf32, #tpu.memory_space<hbm>>
      tpu.wait_indirect_dma semaphore(%arg9 : memref<!tpu.dma_semaphore, #tpu.memory_space<semaphore_mem>>) src(%dma_wait3A_199 : memref<2600000x16xf32, #tpu.memory_space<hbm>>) dst(%dma_wait3A_193 : memref<128x16xf32, #tpu.memory_space<vmem>>)
      %dma_wait3A_200 = arith.constant 2 : i32
      %dma_wait3A_201 = arith.constant 256 : i32
      %dma_wait3A_202 = arith.constant 0 : i32
      %dma_wait3A_203 = tpu.memref_slice %arg7[%dma_wait3A_201, %dma_wait3A_202] : memref<2048x16xf32, #tpu.memory_space<vmem>> -> memref<128x16xf32, #tpu.memory_space<vmem>>
      %dma_wait3A_204 = arith.constant 0 : i32
      %dma_wait3A_205 = tpu.memref_slice %arg6[%dma_wait3A_200, %dma_wait3A_204] : memref<16x128xi32, #tpu.memory_space<vmem>> -> memref<1x128xi32, #tpu.memory_space<vmem>>
      %dma_wait3A_206 = tpu.memref_squeeze %dma_wait3A_205 : memref<1x128xi32, #tpu.memory_space<vmem>> -> memref<128xi32, #tpu.memory_space<vmem>>
      %dma_wait3A_207 = arith.constant 0 : i32
      %dma_wait3A_208 = arith.constant 0 : i32
      %dma_wait3A_209 = tpu.memref_slice %arg2[%dma_wait3A_207, %dma_wait3A_208] : memref<2600000x16xf32, #tpu.memory_space<hbm>> -> memref<2600000x16xf32, #tpu.memory_space<hbm>>
      tpu.wait_indirect_dma semaphore(%arg9 : memref<!tpu.dma_semaphore, #tpu.memory_space<semaphore_mem>>) src(%dma_wait3A_209 : memref<2600000x16xf32, #tpu.memory_space<hbm>>) dst(%dma_wait3A_203 : memref<128x16xf32, #tpu.memory_space<vmem>>)
      %dma_wait3A_210 = arith.constant 3 : i32
      %dma_wait3A_211 = arith.constant 384 : i32
      %dma_wait3A_212 = arith.constant 0 : i32
      %dma_wait3A_213 = tpu.memref_slice %arg7[%dma_wait3A_211, %dma_wait3A_212] : memref<2048x16xf32, #tpu.memory_space<vmem>> -> memref<128x16xf32, #tpu.memory_space<vmem>>
      %dma_wait3A_214 = arith.constant 0 : i32
      %dma_wait3A_215 = tpu.memref_slice %arg6[%dma_wait3A_210, %dma_wait3A_214] : memref<16x128xi32, #tpu.memory_space<vmem>> -> memref<1x128xi32, #tpu.memory_space<vmem>>
      %dma_wait3A_216 = tpu.memref_squeeze %dma_wait3A_215 : memref<1x128xi32, #tpu.memory_space<vmem>> -> memref<128xi32, #tpu.memory_space<vmem>>
      %dma_wait3A_217 = arith.constant 0 : i32
      %dma_wait3A_218 = arith.constant 0 : i32
      %dma_wait3A_219 = tpu.memref_slice %arg2[%dma_wait3A_217, %dma_wait3A_218] : memref<2600000x16xf32, #tpu.memory_space<hbm>> -> memref<2600000x16xf32, #tpu.memory_space<hbm>>
      tpu.wait_indirect_dma semaphore(%arg9 : memref<!tpu.dma_semaphore, #tpu.memory_space<semaphore_mem>>) src(%dma_wait3A_219 : memref<2600000x16xf32, #tpu.memory_space<hbm>>) dst(%dma_wait3A_213 : memref<128x16xf32, #tpu.memory_space<vmem>>)
      %dma_wait3A_220 = arith.constant 4 : i32
      %dma_wait3A_221 = arith.constant 512 : i32
      %dma_wait3A_222 = arith.constant 0 : i32
      %dma_wait3A_223 = tpu.memref_slice %arg7[%dma_wait3A_221, %dma_wait3A_222] : memref<2048x16xf32, #tpu.memory_space<vmem>> -> memref<128x16xf32, #tpu.memory_space<vmem>>
      %dma_wait3A_224 = arith.constant 0 : i32
      %dma_wait3A_225 = tpu.memref_slice %arg6[%dma_wait3A_220, %dma_wait3A_224] : memref<16x128xi32, #tpu.memory_space<vmem>> -> memref<1x128xi32, #tpu.memory_space<vmem>>
      %dma_wait3A_226 = tpu.memref_squeeze %dma_wait3A_225 : memref<1x128xi32, #tpu.memory_space<vmem>> -> memref<128xi32, #tpu.memory_space<vmem>>
      %dma_wait3A_227 = arith.constant 0 : i32
      %dma_wait3A_228 = arith.constant 0 : i32
      %dma_wait3A_229 = tpu.memref_slice %arg2[%dma_wait3A_227, %dma_wait3A_228] : memref<2600000x16xf32, #tpu.memory_space<hbm>> -> memref<2600000x16xf32, #tpu.memory_space<hbm>>
      tpu.wait_indirect_dma semaphore(%arg9 : memref<!tpu.dma_semaphore, #tpu.memory_space<semaphore_mem>>) src(%dma_wait3A_229 : memref<2600000x16xf32, #tpu.memory_space<hbm>>) dst(%dma_wait3A_223 : memref<128x16xf32, #tpu.memory_space<vmem>>)
      %dma_wait3A_230 = arith.constant 5 : i32
      %dma_wait3A_231 = arith.constant 640 : i32
      %dma_wait3A_232 = arith.constant 0 : i32
      %dma_wait3A_233 = tpu.memref_slice %arg7[%dma_wait3A_231, %dma_wait3A_232] : memref<2048x16xf32, #tpu.memory_space<vmem>> -> memref<128x16xf32, #tpu.memory_space<vmem>>
      %dma_wait3A_234 = arith.constant 0 : i32
      %dma_wait3A_235 = tpu.memref_slice %arg6[%dma_wait3A_230, %dma_wait3A_234] : memref<16x128xi32, #tpu.memory_space<vmem>> -> memref<1x128xi32, #tpu.memory_space<vmem>>
      %dma_wait3A_236 = tpu.memref_squeeze %dma_wait3A_235 : memref<1x128xi32, #tpu.memory_space<vmem>> -> memref<128xi32, #tpu.memory_space<vmem>>
      %dma_wait3A_237 = arith.constant 0 : i32
      %dma_wait3A_238 = arith.constant 0 : i32
      %dma_wait3A_239 = tpu.memref_slice %arg2[%dma_wait3A_237, %dma_wait3A_238] : memref<2600000x16xf32, #tpu.memory_space<hbm>> -> memref<2600000x16xf32, #tpu.memory_space<hbm>>
      tpu.wait_indirect_dma semaphore(%arg9 : memref<!tpu.dma_semaphore, #tpu.memory_space<semaphore_mem>>) src(%dma_wait3A_239 : memref<2600000x16xf32, #tpu.memory_space<hbm>>) dst(%dma_wait3A_233 : memref<128x16xf32, #tpu.memory_space<vmem>>)
      %dma_wait3A_240 = arith.constant 6 : i32
      %dma_wait3A_241 = arith.constant 768 : i32
      %dma_wait3A_242 = arith.constant 0 : i32
      %dma_wait3A_243 = tpu.memref_slice %arg7[%dma_wait3A_241, %dma_wait3A_242] : memref<2048x16xf32, #tpu.memory_space<vmem>> -> memref<128x16xf32, #tpu.memory_space<vmem>>
      %dma_wait3A_244 = arith.constant 0 : i32
      %dma_wait3A_245 = tpu.memref_slice %arg6[%dma_wait3A_240, %dma_wait3A_244] : memref<16x128xi32, #tpu.memory_space<vmem>> -> memref<1x128xi32, #tpu.memory_space<vmem>>
      %dma_wait3A_246 = tpu.memref_squeeze %dma_wait3A_245 : memref<1x128xi32, #tpu.memory_space<vmem>> -> memref<128xi32, #tpu.memory_space<vmem>>
      %dma_wait3A_247 = arith.constant 0 : i32
      %dma_wait3A_248 = arith.constant 0 : i32
      %dma_wait3A_249 = tpu.memref_slice %arg2[%dma_wait3A_247, %dma_wait3A_248] : memref<2600000x16xf32, #tpu.memory_space<hbm>> -> memref<2600000x16xf32, #tpu.memory_space<hbm>>
      tpu.wait_indirect_dma semaphore(%arg9 : memref<!tpu.dma_semaphore, #tpu.memory_space<semaphore_mem>>) src(%dma_wait3A_249 : memref<2600000x16xf32, #tpu.memory_space<hbm>>) dst(%dma_wait3A_243 : memref<128x16xf32, #tpu.memory_space<vmem>>)
      %dma_wait3A_250 = arith.constant 7 : i32
      %dma_wait3A_251 = arith.constant 896 : i32
      %dma_wait3A_252 = arith.constant 0 : i32
      %dma_wait3A_253 = tpu.memref_slice %arg7[%dma_wait3A_251, %dma_wait3A_252] : memref<2048x16xf32, #tpu.memory_space<vmem>> -> memref<128x16xf32, #tpu.memory_space<vmem>>
      %dma_wait3A_254 = arith.constant 0 : i32
      %dma_wait3A_255 = tpu.memref_slice %arg6[%dma_wait3A_250, %dma_wait3A_254] : memref<16x128xi32, #tpu.memory_space<vmem>> -> memref<1x128xi32, #tpu.memory_space<vmem>>
      %dma_wait3A_256 = tpu.memref_squeeze %dma_wait3A_255 : memref<1x128xi32, #tpu.memory_space<vmem>> -> memref<128xi32, #tpu.memory_space<vmem>>
      %dma_wait3A_257 = arith.constant 0 : i32
      %dma_wait3A_258 = arith.constant 0 : i32
      %dma_wait3A_259 = tpu.memref_slice %arg2[%dma_wait3A_257, %dma_wait3A_258] : memref<2600000x16xf32, #tpu.memory_space<hbm>> -> memref<2600000x16xf32, #tpu.memory_space<hbm>>
      tpu.wait_indirect_dma semaphore(%arg9 : memref<!tpu.dma_semaphore, #tpu.memory_space<semaphore_mem>>) src(%dma_wait3A_259 : memref<2600000x16xf32, #tpu.memory_space<hbm>>) dst(%dma_wait3A_253 : memref<128x16xf32, #tpu.memory_space<vmem>>)
      %dma_wait3A_260 = arith.constant 8 : i32
      %dma_wait3A_261 = arith.constant 1024 : i32
      %dma_wait3A_262 = arith.constant 0 : i32
      %dma_wait3A_263 = tpu.memref_slice %arg7[%dma_wait3A_261, %dma_wait3A_262] : memref<2048x16xf32, #tpu.memory_space<vmem>> -> memref<128x16xf32, #tpu.memory_space<vmem>>
      %dma_wait3A_264 = arith.constant 0 : i32
      %dma_wait3A_265 = tpu.memref_slice %arg6[%dma_wait3A_260, %dma_wait3A_264] : memref<16x128xi32, #tpu.memory_space<vmem>> -> memref<1x128xi32, #tpu.memory_space<vmem>>
      %dma_wait3A_266 = tpu.memref_squeeze %dma_wait3A_265 : memref<1x128xi32, #tpu.memory_space<vmem>> -> memref<128xi32, #tpu.memory_space<vmem>>
      %dma_wait3A_267 = arith.constant 0 : i32
      %dma_wait3A_268 = arith.constant 0 : i32
      %dma_wait3A_269 = tpu.memref_slice %arg2[%dma_wait3A_267, %dma_wait3A_268] : memref<2600000x16xf32, #tpu.memory_space<hbm>> -> memref<2600000x16xf32, #tpu.memory_space<hbm>>
      tpu.wait_indirect_dma semaphore(%arg9 : memref<!tpu.dma_semaphore, #tpu.memory_space<semaphore_mem>>) src(%dma_wait3A_269 : memref<2600000x16xf32, #tpu.memory_space<hbm>>) dst(%dma_wait3A_263 : memref<128x16xf32, #tpu.memory_space<vmem>>)
      %dma_wait3A_270 = arith.constant 9 : i32
      %dma_wait3A_271 = arith.constant 1152 : i32
      %dma_wait3A_272 = arith.constant 0 : i32
      %dma_wait3A_273 = tpu.memref_slice %arg7[%dma_wait3A_271, %dma_wait3A_272] : memref<2048x16xf32, #tpu.memory_space<vmem>> -> memref<128x16xf32, #tpu.memory_space<vmem>>
      %dma_wait3A_274 = arith.constant 0 : i32
      %dma_wait3A_275 = tpu.memref_slice %arg6[%dma_wait3A_270, %dma_wait3A_274] : memref<16x128xi32, #tpu.memory_space<vmem>> -> memref<1x128xi32, #tpu.memory_space<vmem>>
      %dma_wait3A_276 = tpu.memref_squeeze %dma_wait3A_275 : memref<1x128xi32, #tpu.memory_space<vmem>> -> memref<128xi32, #tpu.memory_space<vmem>>
      %dma_wait3A_277 = arith.constant 0 : i32
      %dma_wait3A_278 = arith.constant 0 : i32
      %dma_wait3A_279 = tpu.memref_slice %arg2[%dma_wait3A_277, %dma_wait3A_278] : memref<2600000x16xf32, #tpu.memory_space<hbm>> -> memref<2600000x16xf32, #tpu.memory_space<hbm>>
      tpu.wait_indirect_dma semaphore(%arg9 : memref<!tpu.dma_semaphore, #tpu.memory_space<semaphore_mem>>) src(%dma_wait3A_279 : memref<2600000x16xf32, #tpu.memory_space<hbm>>) dst(%dma_wait3A_273 : memref<128x16xf32, #tpu.memory_space<vmem>>)
      %dma_wait3A_280 = arith.constant 10 : i32
      %dma_wait3A_281 = arith.constant 1280 : i32
      %dma_wait3A_282 = arith.constant 0 : i32
      %dma_wait3A_283 = tpu.memref_slice %arg7[%dma_wait3A_281, %dma_wait3A_282] : memref<2048x16xf32, #tpu.memory_space<vmem>> -> memref<128x16xf32, #tpu.memory_space<vmem>>
      %dma_wait3A_284 = arith.constant 0 : i32
      %dma_wait3A_285 = tpu.memref_slice %arg6[%dma_wait3A_280, %dma_wait3A_284] : memref<16x128xi32, #tpu.memory_space<vmem>> -> memref<1x128xi32, #tpu.memory_space<vmem>>
      %dma_wait3A_286 = tpu.memref_squeeze %dma_wait3A_285 : memref<1x128xi32, #tpu.memory_space<vmem>> -> memref<128xi32, #tpu.memory_space<vmem>>
      %dma_wait3A_287 = arith.constant 0 : i32
      %dma_wait3A_288 = arith.constant 0 : i32
      %dma_wait3A_289 = tpu.memref_slice %arg2[%dma_wait3A_287, %dma_wait3A_288] : memref<2600000x16xf32, #tpu.memory_space<hbm>> -> memref<2600000x16xf32, #tpu.memory_space<hbm>>
      tpu.wait_indirect_dma semaphore(%arg9 : memref<!tpu.dma_semaphore, #tpu.memory_space<semaphore_mem>>) src(%dma_wait3A_289 : memref<2600000x16xf32, #tpu.memory_space<hbm>>) dst(%dma_wait3A_283 : memref<128x16xf32, #tpu.memory_space<vmem>>)
      %dma_wait3A_290 = arith.constant 11 : i32
      %dma_wait3A_291 = arith.constant 1408 : i32
      %dma_wait3A_292 = arith.constant 0 : i32
      %dma_wait3A_293 = tpu.memref_slice %arg7[%dma_wait3A_291, %dma_wait3A_292] : memref<2048x16xf32, #tpu.memory_space<vmem>> -> memref<128x16xf32, #tpu.memory_space<vmem>>
      %dma_wait3A_294 = arith.constant 0 : i32
      %dma_wait3A_295 = tpu.memref_slice %arg6[%dma_wait3A_290, %dma_wait3A_294] : memref<16x128xi32, #tpu.memory_space<vmem>> -> memref<1x128xi32, #tpu.memory_space<vmem>>
      %dma_wait3A_296 = tpu.memref_squeeze %dma_wait3A_295 : memref<1x128xi32, #tpu.memory_space<vmem>> -> memref<128xi32, #tpu.memory_space<vmem>>
      %dma_wait3A_297 = arith.constant 0 : i32
      %dma_wait3A_298 = arith.constant 0 : i32
      %dma_wait3A_299 = tpu.memref_slice %arg2[%dma_wait3A_297, %dma_wait3A_298] : memref<2600000x16xf32, #tpu.memory_space<hbm>> -> memref<2600000x16xf32, #tpu.memory_space<hbm>>
      tpu.wait_indirect_dma semaphore(%arg9 : memref<!tpu.dma_semaphore, #tpu.memory_space<semaphore_mem>>) src(%dma_wait3A_299 : memref<2600000x16xf32, #tpu.memory_space<hbm>>) dst(%dma_wait3A_293 : memref<128x16xf32, #tpu.memory_space<vmem>>)
      %dma_wait3A_300 = arith.constant 12 : i32
      %dma_wait3A_301 = arith.constant 1536 : i32
      %dma_wait3A_302 = arith.constant 0 : i32
      %dma_wait3A_303 = tpu.memref_slice %arg7[%dma_wait3A_301, %dma_wait3A_302] : memref<2048x16xf32, #tpu.memory_space<vmem>> -> memref<128x16xf32, #tpu.memory_space<vmem>>
      %dma_wait3A_304 = arith.constant 0 : i32
      %dma_wait3A_305 = tpu.memref_slice %arg6[%dma_wait3A_300, %dma_wait3A_304] : memref<16x128xi32, #tpu.memory_space<vmem>> -> memref<1x128xi32, #tpu.memory_space<vmem>>
      %dma_wait3A_306 = tpu.memref_squeeze %dma_wait3A_305 : memref<1x128xi32, #tpu.memory_space<vmem>> -> memref<128xi32, #tpu.memory_space<vmem>>
      %dma_wait3A_307 = arith.constant 0 : i32
      %dma_wait3A_308 = arith.constant 0 : i32
      %dma_wait3A_309 = tpu.memref_slice %arg2[%dma_wait3A_307, %dma_wait3A_308] : memref<2600000x16xf32, #tpu.memory_space<hbm>> -> memref<2600000x16xf32, #tpu.memory_space<hbm>>
      tpu.wait_indirect_dma semaphore(%arg9 : memref<!tpu.dma_semaphore, #tpu.memory_space<semaphore_mem>>) src(%dma_wait3A_309 : memref<2600000x16xf32, #tpu.memory_space<hbm>>) dst(%dma_wait3A_303 : memref<128x16xf32, #tpu.memory_space<vmem>>)
      %dma_wait3A_310 = arith.constant 13 : i32
      %dma_wait3A_311 = arith.constant 1664 : i32
      %dma_wait3A_312 = arith.constant 0 : i32
      %dma_wait3A_313 = tpu.memref_slice %arg7[%dma_wait3A_311, %dma_wait3A_312] : memref<2048x16xf32, #tpu.memory_space<vmem>> -> memref<128x16xf32, #tpu.memory_space<vmem>>
      %dma_wait3A_314 = arith.constant 0 : i32
      %dma_wait3A_315 = tpu.memref_slice %arg6[%dma_wait3A_310, %dma_wait3A_314] : memref<16x128xi32, #tpu.memory_space<vmem>> -> memref<1x128xi32, #tpu.memory_space<vmem>>
      %dma_wait3A_316 = tpu.memref_squeeze %dma_wait3A_315 : memref<1x128xi32, #tpu.memory_space<vmem>> -> memref<128xi32, #tpu.memory_space<vmem>>
      %dma_wait3A_317 = arith.constant 0 : i32
      %dma_wait3A_318 = arith.constant 0 : i32
      %dma_wait3A_319 = tpu.memref_slice %arg2[%dma_wait3A_317, %dma_wait3A_318] : memref<2600000x16xf32, #tpu.memory_space<hbm>> -> memref<2600000x16xf32, #tpu.memory_space<hbm>>
      tpu.wait_indirect_dma semaphore(%arg9 : memref<!tpu.dma_semaphore, #tpu.memory_space<semaphore_mem>>) src(%dma_wait3A_319 : memref<2600000x16xf32, #tpu.memory_space<hbm>>) dst(%dma_wait3A_313 : memref<128x16xf32, #tpu.memory_space<vmem>>)
      %dma_wait3A_320 = arith.constant 14 : i32
      %dma_wait3A_321 = arith.constant 1792 : i32
      %dma_wait3A_322 = arith.constant 0 : i32
      %dma_wait3A_323 = tpu.memref_slice %arg7[%dma_wait3A_321, %dma_wait3A_322] : memref<2048x16xf32, #tpu.memory_space<vmem>> -> memref<128x16xf32, #tpu.memory_space<vmem>>
      %dma_wait3A_324 = arith.constant 0 : i32
      %dma_wait3A_325 = tpu.memref_slice %arg6[%dma_wait3A_320, %dma_wait3A_324] : memref<16x128xi32, #tpu.memory_space<vmem>> -> memref<1x128xi32, #tpu.memory_space<vmem>>
      %dma_wait3A_326 = tpu.memref_squeeze %dma_wait3A_325 : memref<1x128xi32, #tpu.memory_space<vmem>> -> memref<128xi32, #tpu.memory_space<vmem>>
      %dma_wait3A_327 = arith.constant 0 : i32
      %dma_wait3A_328 = arith.constant 0 : i32
      %dma_wait3A_329 = tpu.memref_slice %arg2[%dma_wait3A_327, %dma_wait3A_328] : memref<2600000x16xf32, #tpu.memory_space<hbm>> -> memref<2600000x16xf32, #tpu.memory_space<hbm>>
      tpu.wait_indirect_dma semaphore(%arg9 : memref<!tpu.dma_semaphore, #tpu.memory_space<semaphore_mem>>) src(%dma_wait3A_329 : memref<2600000x16xf32, #tpu.memory_space<hbm>>) dst(%dma_wait3A_323 : memref<128x16xf32, #tpu.memory_space<vmem>>)
      %dma_wait3A_330 = arith.constant 15 : i32
      %dma_wait3A_331 = arith.constant 1920 : i32
      %dma_wait3A_332 = arith.constant 0 : i32
      %dma_wait3A_333 = tpu.memref_slice %arg7[%dma_wait3A_331, %dma_wait3A_332] : memref<2048x16xf32, #tpu.memory_space<vmem>> -> memref<128x16xf32, #tpu.memory_space<vmem>>
      %dma_wait3A_334 = arith.constant 0 : i32
      %dma_wait3A_335 = tpu.memref_slice %arg6[%dma_wait3A_330, %dma_wait3A_334] : memref<16x128xi32, #tpu.memory_space<vmem>> -> memref<1x128xi32, #tpu.memory_space<vmem>>
      %dma_wait3A_336 = tpu.memref_squeeze %dma_wait3A_335 : memref<1x128xi32, #tpu.memory_space<vmem>> -> memref<128xi32, #tpu.memory_space<vmem>>
      %dma_wait3A_337 = arith.constant 0 : i32
      %dma_wait3A_338 = arith.constant 0 : i32
      %dma_wait3A_339 = tpu.memref_slice %arg2[%dma_wait3A_337, %dma_wait3A_338] : memref<2600000x16xf32, #tpu.memory_space<hbm>> -> memref<2600000x16xf32, #tpu.memory_space<hbm>>
      tpu.wait_indirect_dma semaphore(%arg9 : memref<!tpu.dma_semaphore, #tpu.memory_space<semaphore_mem>>) src(%dma_wait3A_339 : memref<2600000x16xf32, #tpu.memory_space<hbm>>) dst(%dma_wait3A_333 : memref<128x16xf32, #tpu.memory_space<vmem>>)
      %scan3A_340 = arith.constant 0 : i32
      %scan3A_341 = arith.constant 0 : i32
      %scan3A_342 = arith.constant 256 : i32
      %scan3A_343 = arith.addi %scan3A_341, %scan3A_342 : i32
      %scan3A_344 = arith.constant 1 : i32
      scf.for %scan3A_351 = %scan3A_341 to %scan3A_343 step %scan3A_344  : i32 {
        %mul3A_352 = arith.constant 8 : i32
        %mul3A_353 = arith.muli %scan3A_351, %mul3A_352 : i32
        %add3A_354 = arith.constant 0 : i32
        %add3A_355 = arith.addi %mul3A_353, %add3A_354 : i32
        %get3A = arith.index_cast %add3A_355 : i32 to index
        %get3A_356 = arith.constant 0 : index
        %get3A_357 = tpu.vector_load %arg7[%get3A, %get3A_356] {strides = array<i32>} : memref<2048x16xf32, #tpu.memory_space<vmem>>, vector<16xf32>,
        %swap3A = arith.index_cast %scan3A_351 : i32 to index
        %swap3A_358 = arith.constant 0 : index
        %swap3A_359 = tpu.vector_load %arg8[%swap3A, %swap3A_358] {strides = array<i32>} : memref<256x128xf32, #tpu.memory_space<vmem>>, vector<16xf32>,
        tpu.vector_store %arg8[%swap3A, %swap3A_358], %get3A_357 {strides = array<i32>} : memref<256x128xf32, #tpu.memory_space<vmem>>, vector<16xf32>,
        %mul3A_360 = arith.constant 8 : i32
        %mul3A_361 = arith.muli %scan3A_351, %mul3A_360 : i32
        %add3A_362 = arith.constant 1 : i32
        %add3A_363 = arith.addi %mul3A_361, %add3A_362 : i32
        %get3A_364 = arith.index_cast %add3A_363 : i32 to index
        %get3A_365 = arith.constant 0 : index
        %get3A_366 = tpu.vector_load %arg7[%get3A_364, %get3A_365] {strides = array<i32>} : memref<2048x16xf32, #tpu.memory_space<vmem>>, vector<16xf32>,
        %swap3A_367 = arith.index_cast %scan3A_351 : i32 to index
        %swap3A_368 = arith.constant 16 : index
        %swap3A_369 = tpu.vector_load %arg8[%swap3A_367, %swap3A_368] {strides = array<i32>} : memref<256x128xf32, #tpu.memory_space<vmem>>, vector<16xf32>,
        tpu.vector_store %arg8[%swap3A_367, %swap3A_368], %get3A_366 {strides = array<i32>} : memref<256x128xf32, #tpu.memory_space<vmem>>, vector<16xf32>,
        %mul3A_370 = arith.constant 8 : i32
        %mul3A_371 = arith.muli %scan3A_351, %mul3A_370 : i32
        %add3A_372 = arith.constant 2 : i32
        %add3A_373 = arith.addi %mul3A_371, %add3A_372 : i32
        %get3A_374 = arith.index_cast %add3A_373 : i32 to index
        %get3A_375 = arith.constant 0 : index
        %get3A_376 = tpu.vector_load %arg7[%get3A_374, %get3A_375] {strides = array<i32>} : memref<2048x16xf32, #tpu.memory_space<vmem>>, vector<16xf32>,
        %swap3A_377 = arith.index_cast %scan3A_351 : i32 to index
        %swap3A_378 = arith.constant 32 : index
        %swap3A_379 = tpu.vector_load %arg8[%swap3A_377, %swap3A_378] {strides = array<i32>} : memref<256x128xf32, #tpu.memory_space<vmem>>, vector<16xf32>,
        tpu.vector_store %arg8[%swap3A_377, %swap3A_378], %get3A_376 {strides = array<i32>} : memref<256x128xf32, #tpu.memory_space<vmem>>, vector<16xf32>,
        %mul3A_380 = arith.constant 8 : i32
        %mul3A_381 = arith.muli %scan3A_351, %mul3A_380 : i32
        %add3A_382 = arith.constant 3 : i32
        %add3A_383 = arith.addi %mul3A_381, %add3A_382 : i32
        %get3A_384 = arith.index_cast %add3A_383 : i32 to index
        %get3A_385 = arith.constant 0 : index
        %get3A_386 = tpu.vector_load %arg7[%get3A_384, %get3A_385] {strides = array<i32>} : memref<2048x16xf32, #tpu.memory_space<vmem>>, vector<16xf32>,
        %swap3A_387 = arith.index_cast %scan3A_351 : i32 to index
        %swap3A_388 = arith.constant 48 : index
        %swap3A_389 = tpu.vector_load %arg8[%swap3A_387, %swap3A_388] {strides = array<i32>} : memref<256x128xf32, #tpu.memory_space<vmem>>, vector<16xf32>,
        tpu.vector_store %arg8[%swap3A_387, %swap3A_388], %get3A_386 {strides = array<i32>} : memref<256x128xf32, #tpu.memory_space<vmem>>, vector<16xf32>,
        %mul3A_390 = arith.constant 8 : i32
        %mul3A_391 = arith.muli %scan3A_351, %mul3A_390 : i32
        %add3A_392 = arith.constant 4 : i32
        %add3A_393 = arith.addi %mul3A_391, %add3A_392 : i32
        %get3A_394 = arith.index_cast %add3A_393 : i32 to index
        %get3A_395 = arith.constant 0 : index
        %get3A_396 = tpu.vector_load %arg7[%get3A_394, %get3A_395] {strides = array<i32>} : memref<2048x16xf32, #tpu.memory_space<vmem>>, vector<16xf32>,
        %swap3A_397 = arith.index_cast %scan3A_351 : i32 to index
        %swap3A_398 = arith.constant 64 : index
        %swap3A_399 = tpu.vector_load %arg8[%swap3A_397, %swap3A_398] {strides = array<i32>} : memref<256x128xf32, #tpu.memory_space<vmem>>, vector<16xf32>,
        tpu.vector_store %arg8[%swap3A_397, %swap3A_398], %get3A_396 {strides = array<i32>} : memref<256x128xf32, #tpu.memory_space<vmem>>, vector<16xf32>,
        %mul3A_400 = arith.constant 8 : i32
        %mul3A_401 = arith.muli %scan3A_351, %mul3A_400 : i32
        %add3A_402 = arith.constant 5 : i32
        %add3A_403 = arith.addi %mul3A_401, %add3A_402 : i32
        %get3A_404 = arith.index_cast %add3A_403 : i32 to index
        %get3A_405 = arith.constant 0 : index
        %get3A_406 = tpu.vector_load %arg7[%get3A_404, %get3A_405] {strides = array<i32>} : memref<2048x16xf32, #tpu.memory_space<vmem>>, vector<16xf32>,
        %swap3A_407 = arith.index_cast %scan3A_351 : i32 to index
        %swap3A_408 = arith.constant 80 : index
        %swap3A_409 = tpu.vector_load %arg8[%swap3A_407, %swap3A_408] {strides = array<i32>} : memref<256x128xf32, #tpu.memory_space<vmem>>, vector<16xf32>,
        tpu.vector_store %arg8[%swap3A_407, %swap3A_408], %get3A_406 {strides = array<i32>} : memref<256x128xf32, #tpu.memory_space<vmem>>, vector<16xf32>,
        %mul3A_410 = arith.constant 8 : i32
        %mul3A_411 = arith.muli %scan3A_351, %mul3A_410 : i32
        %add3A_412 = arith.constant 6 : i32
        %add3A_413 = arith.addi %mul3A_411, %add3A_412 : i32
        %get3A_414 = arith.index_cast %add3A_413 : i32 to index
        %get3A_415 = arith.constant 0 : index
        %get3A_416 = tpu.vector_load %arg7[%get3A_414, %get3A_415] {strides = array<i32>} : memref<2048x16xf32, #tpu.memory_space<vmem>>, vector<16xf32>,
        %swap3A_417 = arith.index_cast %scan3A_351 : i32 to index
        %swap3A_418 = arith.constant 96 : index
        %swap3A_419 = tpu.vector_load %arg8[%swap3A_417, %swap3A_418] {strides = array<i32>} : memref<256x128xf32, #tpu.memory_space<vmem>>, vector<16xf32>,
        tpu.vector_store %arg8[%swap3A_417, %swap3A_418], %get3A_416 {strides = array<i32>} : memref<256x128xf32, #tpu.memory_space<vmem>>, vector<16xf32>,
        %mul3A_420 = arith.constant 8 : i32
        %mul3A_421 = arith.muli %scan3A_351, %mul3A_420 : i32
        %add3A_422 = arith.constant 7 : i32
        %add3A_423 = arith.addi %mul3A_421, %add3A_422 : i32
        %get3A_424 = arith.index_cast %add3A_423 : i32 to index
        %get3A_425 = arith.constant 0 : index
        %get3A_426 = tpu.vector_load %arg7[%get3A_424, %get3A_425] {strides = array<i32>} : memref<2048x16xf32, #tpu.memory_space<vmem>>, vector<16xf32>,
        %swap3A_427 = arith.index_cast %scan3A_351 : i32 to index
        %swap3A_428 = arith.constant 112 : index
        %swap3A_429 = tpu.vector_load %arg8[%swap3A_427, %swap3A_428] {strides = array<i32>} : memref<256x128xf32, #tpu.memory_space<vmem>>, vector<16xf32>,
        tpu.vector_store %arg8[%swap3A_427, %swap3A_428], %get3A_426 {strides = array<i32>} : memref<256x128xf32, #tpu.memory_space<vmem>>, vector<16xf32>,
      }
      %scan3A_345 = arith.constant 256 : i32
      %mul3A_346 = arith.constant 4 : i32
      %mul3A_347 = arith.muli %add3A, %mul3A_346 : i32
      %add3A_348 = arith.addi %mul3A_347, %scan3A_10 : i32
      %mul3A_349 = arith.constant 256 : i32
      %mul3A_350 = arith.muli %add3A_348, %mul3A_349 : i32
      "tpu.region"() ({
        %run_scoped3A = tpu.sem_alloc : memref<!tpu.dma_semaphore, #tpu.memory_space<semaphore_mem>>
        %dma_start3A_351 = arith.constant 0 : i32
        %dma_start3A_352 = tpu.memref_slice %arg4[%mul3A_350, %dma_start3A_351] : memref<32768x128xf32, #tpu.memory_space<hbm>> -> memref<256x128xf32, #tpu.memory_space<hbm>>
        %dma_start3A_353 = arith.constant 0 : i32
        %dma_start3A_354 = tpu.memref_slice %arg4[%mul3A_350, %dma_start3A_353] : memref<32768x128xf32, #tpu.memory_space<hbm>> -> memref<256x128xf32, #tpu.memory_space<hbm>>
        tpu.enqueue_dma source(%arg8 : memref<256x128xf32, #tpu.memory_space<vmem>>) target(%dma_start3A_354 : memref<256x128xf32, #tpu.memory_space<hbm>>) target_semaphore(%run_scoped3A : memref<!tpu.dma_semaphore, #tpu.memory_space<semaphore_mem>>)
        %dma_wait3A_355 = arith.constant 0 : i32
        %dma_wait3A_356 = tpu.memref_slice %arg4[%mul3A_350, %dma_wait3A_355] : memref<32768x128xf32, #tpu.memory_space<hbm>> -> memref<256x128xf32, #tpu.memory_space<hbm>>
        %dma_wait3A_357 = arith.constant 0 : i32
        %dma_wait3A_358 = tpu.memref_slice %arg4[%mul3A_350, %dma_wait3A_357] : memref<32768x128xf32, #tpu.memory_space<hbm>> -> memref<256x128xf32, #tpu.memory_space<hbm>>
        tpu.wait_dma2 semaphore(%run_scoped3A : memref<!tpu.dma_semaphore, #tpu.memory_space<semaphore_mem>>) src(%arg8 : memref<256x128xf32, #tpu.memory_space<vmem>>) dst(%dma_wait3A_358 : memref<256x128xf32, #tpu.memory_space<hbm>>)
        tpu.yield
      }) : () -> ()
    }
    %scan3A_9 = arith.constant 4 : i32
    return
  }
}

module attributes {stable_mosaic.version = 14 : i64} {
  func.func @body(%arg0: i32, %arg1: memref<2048x16xf32, #tpu.memory_space<vmem>>, %arg2: memref<8192x128xf32, #tpu.memory_space<vmem>>, %arg3: memref<16x608xf32, #tpu.memory_space<vmem>>, %arg4: memref<1x608xf32, #tpu.memory_space<vmem>>, %arg5: memref<1x608xf32, #tpu.memory_space<vmem>>, %arg6: memref<4x128x128xf32, #tpu.memory_space<vmem>>, %arg7: memref<608x128xf32, #tpu.memory_space<vmem>>, %arg8: memref<16x128xf32, #tpu.memory_space<vmem>>, %arg9: memref<1x128xf32, #tpu.memory_space<vmem>>, %arg10: memref<128x64xf32, #tpu.memory_space<vmem>>, %arg11: memref<1x64xf32, #tpu.memory_space<vmem>>, %arg12: memref<64x1xf32, #tpu.memory_space<vmem>>, %arg13: memref<1x1xf32, #tpu.memory_space<vmem>>, %arg14: memref<2048x1xf32, #tpu.memory_space<vmem>>) attributes {dimension_semantics = [#tpu.dimension_semantics<arbitrary>], iteration_bounds = array<i64: 4>, scalar_prefetch = 0 : i64, scratch_operands = 0 : i64, tpu.core_type = #tpu.core_type<tc>, window_params = [{transform_indices = @transform_0, window_bounds = array<i64: 2048, 16>}, {transform_indices = @transform_1, window_bounds = array<i64: 8192, 128>}, {pipeline_mode = #tpu.pipeline_mode<synchronous>, transform_indices = @transform_2, window_bounds = array<i64: 16, 608>}, {pipeline_mode = #tpu.pipeline_mode<synchronous>, transform_indices = @transform_3, window_bounds = array<i64: 1, 608>}, {pipeline_mode = #tpu.pipeline_mode<synchronous>, transform_indices = @transform_4, window_bounds = array<i64: 1, 608>}, {pipeline_mode = #tpu.pipeline_mode<synchronous>, transform_indices = @transform_5, window_bounds = array<i64: 4, 128, 128>}, {pipeline_mode = #tpu.pipeline_mode<synchronous>, transform_indices = @transform_6, window_bounds = array<i64: 608, 128>}, {pipeline_mode = #tpu.pipeline_mode<synchronous>, transform_indices = @transform_7, window_bounds = array<i64: 16, 128>}, {pipeline_mode = #tpu.pipeline_mode<synchronous>, transform_indices = @transform_8, window_bounds = array<i64: 1, 128>}, {pipeline_mode = #tpu.pipeline_mode<synchronous>, transform_indices = @transform_9, window_bounds = array<i64: 128, 64>}, {pipeline_mode = #tpu.pipeline_mode<synchronous>, transform_indices = @transform_10, window_bounds = array<i64: 1, 64>}, {pipeline_mode = #tpu.pipeline_mode<synchronous>, transform_indices = @transform_11, window_bounds = array<i64: 64, 1>}, {pipeline_mode = #tpu.pipeline_mode<synchronous>, transform_indices = @transform_12, window_bounds = array<i64: 1, 1>}, {transform_indices = @transform_13, window_bounds = array<i64: 2048, 1>}]} {
    %get3A = arith.constant 0 : index
    %get3A_0 = arith.constant 0 : index
    %get3A_1 = vector.load %arg1[%get3A, %get3A_0] : memref<2048x16xf32, #tpu.memory_space<vmem>>, vector<2048x16xf32>
    %get3A_2 = arith.constant 0 : index
    %get3A_3 = arith.constant 0 : index
    %get3A_4 = vector.load %arg3[%get3A_2, %get3A_3] : memref<16x608xf32, #tpu.memory_space<vmem>>, vector<16x608xf32>
    %dot_general3A = arith.constant dense<0.000000e+00> : vector<2048x608xf32>
    %dot_general3A_5 = tpu.matmul %get3A_1, %get3A_4, %dot_general3A {dimension_numbers = #tpu.dot_dimension_numbers<[1], [0], [0], [1], [0, 0, 1, 1], [], []>, precision = #tpu.contract_precision<fp32>, transpose_lhs_hint = false} : vector<2048x16xf32>, vector<16x608xf32>, vector<2048x608xf32> -> vector<2048x608xf32>
    %get3A_6 = arith.constant 0 : index
    %get3A_7 = arith.constant 0 : index
    %get3A_8 = vector.load %arg4[%get3A_6, %get3A_7] : memref<1x608xf32, #tpu.memory_space<vmem>>, vector<1x608xf32>
    %sub3A = vector.broadcast %get3A_8 : vector<1x608xf32> to vector<2048x608xf32>
    %sub3A_9 = arith.subf %dot_general3A_5, %sub3A : vector<2048x608xf32>
    %get3A_10 = arith.constant 0 : index
    %get3A_11 = arith.constant 0 : index
    %get3A_12 = vector.load %arg5[%get3A_10, %get3A_11] : memref<1x608xf32, #tpu.memory_space<vmem>>, vector<1x608xf32>
    %mul3A = vector.broadcast %get3A_12 : vector<1x608xf32> to vector<2048x608xf32>
    %mul3A_13 = arith.mulf %sub3A_9, %mul3A : vector<2048x608xf32>
    %jit3A = arith.constant 0.000000e+00 : f32
    %jit3A_14 = arith.constant 1.000000e+00 : f32
    %max3A = vector.broadcast %jit3A : f32 to vector<2048x608xf32>
    %max3A_15 = arith.maximumf %max3A, %mul3A_13 : vector<2048x608xf32>
    %min3A = vector.broadcast %jit3A_14 : f32 to vector<2048x608xf32>
    %min3A_16 = arith.minimumf %min3A, %max3A_15 : vector<2048x608xf32>
    %get3A_17 = arith.constant 0 : index
    %get3A_18 = arith.constant 0 : index
    %get3A_19 = vector.load %arg2[%get3A_17, %get3A_18] : memref<8192x128xf32, #tpu.memory_space<vmem>>, vector<8192x128xf32>
    %reshape3A = vector.shape_cast %get3A_19 : vector<8192x128xf32> to vector<256x4x8x128xf32>
    %slice3A = vector.extract_strided_slice %reshape3A {offsets = [0, 0, 0, 0], sizes = [256, 1, 8, 128], strides = [1, 1, 1, 1]} : vector<256x4x8x128xf32> to vector<256x1x8x128xf32>
    %squeeze3A = vector.shape_cast %slice3A : vector<256x1x8x128xf32> to vector<256x8x128xf32>
    %reshape3A_20 = vector.shape_cast %squeeze3A : vector<256x8x128xf32> to vector<2048x128xf32>
    %get3A_21 = arith.constant 0 : index
    %get3A_22 = arith.constant 0 : index
    %get3A_23 = arith.constant 0 : index
    %get3A_24 = vector.load %arg6[%get3A_21, %get3A_22, %get3A_23] : memref<4x128x128xf32, #tpu.memory_space<vmem>>, vector<1x128x128xf32>
    %get3A_25 = vector.shape_cast %get3A_24 : vector<1x128x128xf32> to vector<128x128xf32>
    %dot_general3A_26 = arith.constant dense<0.000000e+00> : vector<2048x128xf32>
    %dot_general3A_27 = tpu.matmul %reshape3A_20, %get3A_25, %dot_general3A_26 {dimension_numbers = #tpu.dot_dimension_numbers<[1], [0], [0], [1], [0, 0, 1, 1], [], []>, transpose_lhs_hint = false} : vector<2048x128xf32>, vector<128x128xf32>, vector<2048x128xf32> -> vector<2048x128xf32>
    %slice3A_28 = vector.extract_strided_slice %reshape3A {offsets = [0, 1, 0, 0], sizes = [256, 1, 8, 128], strides = [1, 1, 1, 1]} : vector<256x4x8x128xf32> to vector<256x1x8x128xf32>
    %squeeze3A_29 = vector.shape_cast %slice3A_28 : vector<256x1x8x128xf32> to vector<256x8x128xf32>
    %reshape3A_30 = vector.shape_cast %squeeze3A_29 : vector<256x8x128xf32> to vector<2048x128xf32>
    %get3A_31 = arith.constant 1 : index
    %get3A_32 = arith.constant 0 : index
    %get3A_33 = arith.constant 0 : index
    %get3A_34 = vector.load %arg6[%get3A_31, %get3A_32, %get3A_33] : memref<4x128x128xf32, #tpu.memory_space<vmem>>, vector<1x128x128xf32>
    %get3A_35 = vector.shape_cast %get3A_34 : vector<1x128x128xf32> to vector<128x128xf32>
    %dot_general3A_36 = arith.constant dense<0.000000e+00> : vector<2048x128xf32>
    %dot_general3A_37 = tpu.matmul %reshape3A_30, %get3A_35, %dot_general3A_36 {dimension_numbers = #tpu.dot_dimension_numbers<[1], [0], [0], [1], [0, 0, 1, 1], [], []>, transpose_lhs_hint = false} : vector<2048x128xf32>, vector<128x128xf32>, vector<2048x128xf32> -> vector<2048x128xf32>
    %add3A = arith.addf %dot_general3A_27, %dot_general3A_37 : vector<2048x128xf32>
    %slice3A_38 = vector.extract_strided_slice %reshape3A {offsets = [0, 2, 0, 0], sizes = [256, 1, 8, 128], strides = [1, 1, 1, 1]} : vector<256x4x8x128xf32> to vector<256x1x8x128xf32>
    %squeeze3A_39 = vector.shape_cast %slice3A_38 : vector<256x1x8x128xf32> to vector<256x8x128xf32>
    %reshape3A_40 = vector.shape_cast %squeeze3A_39 : vector<256x8x128xf32> to vector<2048x128xf32>
    %get3A_41 = arith.constant 2 : index
    %get3A_42 = arith.constant 0 : index
    %get3A_43 = arith.constant 0 : index
    %get3A_44 = vector.load %arg6[%get3A_41, %get3A_42, %get3A_43] : memref<4x128x128xf32, #tpu.memory_space<vmem>>, vector<1x128x128xf32>
    %get3A_45 = vector.shape_cast %get3A_44 : vector<1x128x128xf32> to vector<128x128xf32>
    %dot_general3A_46 = arith.constant dense<0.000000e+00> : vector<2048x128xf32>
    %dot_general3A_47 = tpu.matmul %reshape3A_40, %get3A_45, %dot_general3A_46 {dimension_numbers = #tpu.dot_dimension_numbers<[1], [0], [0], [1], [0, 0, 1, 1], [], []>, transpose_lhs_hint = false} : vector<2048x128xf32>, vector<128x128xf32>, vector<2048x128xf32> -> vector<2048x128xf32>
    %add3A_48 = arith.addf %add3A, %dot_general3A_47 : vector<2048x128xf32>
    %slice3A_49 = vector.extract_strided_slice %reshape3A {offsets = [0, 3, 0, 0], sizes = [256, 1, 8, 128], strides = [1, 1, 1, 1]} : vector<256x4x8x128xf32> to vector<256x1x8x128xf32>
    %squeeze3A_50 = vector.shape_cast %slice3A_49 : vector<256x1x8x128xf32> to vector<256x8x128xf32>
    %reshape3A_51 = vector.shape_cast %squeeze3A_50 : vector<256x8x128xf32> to vector<2048x128xf32>
    %get3A_52 = arith.constant 3 : index
    %get3A_53 = arith.constant 0 : index
    %get3A_54 = arith.constant 0 : index
    %get3A_55 = vector.load %arg6[%get3A_52, %get3A_53, %get3A_54] : memref<4x128x128xf32, #tpu.memory_space<vmem>>, vector<1x128x128xf32>
    %get3A_56 = vector.shape_cast %get3A_55 : vector<1x128x128xf32> to vector<128x128xf32>
    %dot_general3A_57 = arith.constant dense<0.000000e+00> : vector<2048x128xf32>
    %dot_general3A_58 = tpu.matmul %reshape3A_51, %get3A_56, %dot_general3A_57 {dimension_numbers = #tpu.dot_dimension_numbers<[1], [0], [0], [1], [0, 0, 1, 1], [], []>, transpose_lhs_hint = false} : vector<2048x128xf32>, vector<128x128xf32>, vector<2048x128xf32> -> vector<2048x128xf32>
    %add3A_59 = arith.addf %add3A_48, %dot_general3A_58 : vector<2048x128xf32>
    %get3A_60 = arith.constant 0 : index
    %get3A_61 = arith.constant 0 : index
    %get3A_62 = vector.load %arg7[%get3A_60, %get3A_61] : memref<608x128xf32, #tpu.memory_space<vmem>>, vector<608x128xf32>
    %dot_general3A_63 = arith.constant dense<0.000000e+00> : vector<2048x128xf32>
    %dot_general3A_64 = tpu.matmul %min3A_16, %get3A_62, %dot_general3A_63 {dimension_numbers = #tpu.dot_dimension_numbers<[1], [0], [0], [1], [0, 0, 1, 1], [], []>, transpose_lhs_hint = false} : vector<2048x608xf32>, vector<608x128xf32>, vector<2048x128xf32> -> vector<2048x128xf32>
    %add3A_65 = arith.addf %add3A_59, %dot_general3A_64 : vector<2048x128xf32>
    %get3A_66 = arith.constant 0 : index
    %get3A_67 = arith.constant 0 : index
    %get3A_68 = vector.load %arg8[%get3A_66, %get3A_67] : memref<16x128xf32, #tpu.memory_space<vmem>>, vector<16x128xf32>
    %dot_general3A_69 = arith.constant dense<0.000000e+00> : vector<2048x128xf32>
    %dot_general3A_70 = tpu.matmul %get3A_1, %get3A_68, %dot_general3A_69 {dimension_numbers = #tpu.dot_dimension_numbers<[1], [0], [0], [1], [0, 0, 1, 1], [], []>, transpose_lhs_hint = false} : vector<2048x16xf32>, vector<16x128xf32>, vector<2048x128xf32> -> vector<2048x128xf32>
    %add3A_71 = arith.addf %add3A_65, %dot_general3A_70 : vector<2048x128xf32>
    %get3A_72 = arith.constant 0 : index
    %get3A_73 = arith.constant 0 : index
    %get3A_74 = vector.load %arg9[%get3A_72, %get3A_73] : memref<1x128xf32, #tpu.memory_space<vmem>>, vector<1x128xf32>
    %add3A_75 = vector.broadcast %get3A_74 : vector<1x128xf32> to vector<2048x128xf32>
    %add3A_76 = arith.addf %add3A_71, %add3A_75 : vector<2048x128xf32>
    %max3A_77 = arith.constant 0.000000e+00 : f32
    %max3A_78 = vector.broadcast %max3A_77 : f32 to vector<2048x128xf32>
    %max3A_79 = arith.maximumf %add3A_76, %max3A_78 : vector<2048x128xf32>
    %get3A_80 = arith.constant 0 : index
    %get3A_81 = arith.constant 0 : index
    %get3A_82 = vector.load %arg10[%get3A_80, %get3A_81] : memref<128x64xf32, #tpu.memory_space<vmem>>, vector<128x64xf32>
    %dot_general3A_83 = arith.constant dense<0.000000e+00> : vector<2048x64xf32>
    %dot_general3A_84 = tpu.matmul %max3A_79, %get3A_82, %dot_general3A_83 {dimension_numbers = #tpu.dot_dimension_numbers<[1], [0], [0], [1], [0, 0, 1, 1], [], []>, transpose_lhs_hint = false} : vector<2048x128xf32>, vector<128x64xf32>, vector<2048x64xf32> -> vector<2048x64xf32>
    %get3A_85 = arith.constant 0 : index
    %get3A_86 = arith.constant 0 : index
    %get3A_87 = vector.load %arg11[%get3A_85, %get3A_86] : memref<1x64xf32, #tpu.memory_space<vmem>>, vector<1x64xf32>
    %add3A_88 = vector.broadcast %get3A_87 : vector<1x64xf32> to vector<2048x64xf32>
    %add3A_89 = arith.addf %dot_general3A_84, %add3A_88 : vector<2048x64xf32>
    %max3A_90 = arith.constant 0.000000e+00 : f32
    %max3A_91 = vector.broadcast %max3A_90 : f32 to vector<2048x64xf32>
    %max3A_92 = arith.maximumf %add3A_89, %max3A_91 : vector<2048x64xf32>
    %get3A_93 = arith.constant 0 : index
    %get3A_94 = arith.constant 0 : index
    %get3A_95 = vector.load %arg12[%get3A_93, %get3A_94] : memref<64x1xf32, #tpu.memory_space<vmem>>, vector<64x1xf32>
    %dot_general3A_96 = arith.constant dense<0.000000e+00> : vector<2048x1xf32>
    %dot_general3A_97 = tpu.matmul %max3A_92, %get3A_95, %dot_general3A_96 {dimension_numbers = #tpu.dot_dimension_numbers<[1], [0], [0], [1], [0, 0, 1, 1], [], []>, transpose_lhs_hint = false} : vector<2048x64xf32>, vector<64x1xf32>, vector<2048x1xf32> -> vector<2048x1xf32>
    %get3A_98 = arith.constant 0 : index
    %get3A_99 = arith.constant 0 : index
    %get3A_100 = vector.load %arg13[%get3A_98, %get3A_99] : memref<1x1xf32, #tpu.memory_space<vmem>>, vector<1x1xf32>
    %add3A_101 = vector.broadcast %get3A_100 : vector<1x1xf32> to vector<2048x1xf32>
    %add3A_102 = arith.addf %dot_general3A_97, %add3A_101 : vector<2048x1xf32>
    %swap3A = arith.constant 0 : index
    %swap3A_103 = arith.constant 0 : index
    %swap3A_104 = vector.load %arg14[%swap3A, %swap3A_103] : memref<2048x1xf32, #tpu.memory_space<vmem>>, vector<2048x1xf32>
    tpu.vector_store %arg14[%swap3A, %swap3A_103], %add3A_102 {strides = array<i32>} : memref<2048x1xf32, #tpu.memory_space<vmem>>, vector<2048x1xf32>,
    return
  }
  func.func @transform_0(%arg0: i32) -> (i32, i32) {
    %c0_i32 = arith.constant 0 : i32
    %c0_i32_0 = arith.constant 0 : i32
    return %arg0, %c0_i32 : i32, i32
  }
  func.func @transform_1(%arg0: i32) -> (i32, i32) {
    %c0_i32 = arith.constant 0 : i32
    %c0_i32_0 = arith.constant 0 : i32
    return %arg0, %c0_i32 : i32, i32
  }
  func.func @transform_2(%arg0: i32) -> (i32, i32) {
    %c0_i32 = arith.constant 0 : i32
    %c0_i32_0 = arith.constant 0 : i32
    %c0_i32_1 = arith.constant 0 : i32
    return %c0_i32, %c0_i32_0 : i32, i32
  }
  func.func @transform_3(%arg0: i32) -> (i32, i32) {
    %c0_i32 = arith.constant 0 : i32
    %c0_i32_0 = arith.constant 0 : i32
    %c0_i32_1 = arith.constant 0 : i32
    return %c0_i32, %c0_i32_0 : i32, i32
  }
  func.func @transform_4(%arg0: i32) -> (i32, i32) {
    %c0_i32 = arith.constant 0 : i32
    %c0_i32_0 = arith.constant 0 : i32
    %c0_i32_1 = arith.constant 0 : i32
    return %c0_i32, %c0_i32_0 : i32, i32
  }
  func.func @transform_5(%arg0: i32) -> (i32, i32, i32) {
    %c0_i32 = arith.constant 0 : i32
    %c0_i32_0 = arith.constant 0 : i32
    %c0_i32_1 = arith.constant 0 : i32
    %c0_i32_2 = arith.constant 0 : i32
    return %c0_i32, %c0_i32_0, %c0_i32_1 : i32, i32, i32
  }
  func.func @transform_6(%arg0: i32) -> (i32, i32) {
    %c0_i32 = arith.constant 0 : i32
    %c0_i32_0 = arith.constant 0 : i32
    %c0_i32_1 = arith.constant 0 : i32
    return %c0_i32, %c0_i32_0 : i32, i32
  }
  func.func @transform_7(%arg0: i32) -> (i32, i32) {
    %c0_i32 = arith.constant 0 : i32
    %c0_i32_0 = arith.constant 0 : i32
    %c0_i32_1 = arith.constant 0 : i32
    return %c0_i32, %c0_i32_0 : i32, i32
  }
  func.func @transform_8(%arg0: i32) -> (i32, i32) {
    %c0_i32 = arith.constant 0 : i32
    %c0_i32_0 = arith.constant 0 : i32
    %c0_i32_1 = arith.constant 0 : i32
    return %c0_i32, %c0_i32_0 : i32, i32
  }
  func.func @transform_9(%arg0: i32) -> (i32, i32) {
    %c0_i32 = arith.constant 0 : i32
    %c0_i32_0 = arith.constant 0 : i32
    %c0_i32_1 = arith.constant 0 : i32
    return %c0_i32, %c0_i32_0 : i32, i32
  }
  func.func @transform_10(%arg0: i32) -> (i32, i32) {
    %c0_i32 = arith.constant 0 : i32
    %c0_i32_0 = arith.constant 0 : i32
    %c0_i32_1 = arith.constant 0 : i32
    return %c0_i32, %c0_i32_0 : i32, i32
  }
  func.func @transform_11(%arg0: i32) -> (i32, i32) {
    %c0_i32 = arith.constant 0 : i32
    %c0_i32_0 = arith.constant 0 : i32
    %c0_i32_1 = arith.constant 0 : i32
    return %c0_i32, %c0_i32_0 : i32, i32
  }
  func.func @transform_12(%arg0: i32) -> (i32, i32) {
    %c0_i32 = arith.constant 0 : i32
    %c0_i32_0 = arith.constant 0 : i32
    %c0_i32_1 = arith.constant 0 : i32
    return %c0_i32, %c0_i32_0 : i32, i32
  }
  func.func @transform_13(%arg0: i32) -> (i32, i32) {
    %c0_i32 = arith.constant 0 : i32
    %c0_i32_0 = arith.constant 0 : i32
    return %arg0, %c0_i32 : i32, i32
  }
}

</mosaic_0001>

<sc_bundles>
// kernel: kernel.6.cloned.1.call-start
scs
__scs_entry_jumppad:
0x0: {  	(pc) =	sbr.rel $0x88, $3  }
0x1: {  	(tag) =	ssettag $0x0;
	lr =	simm.s32 $0x1  }
0x2: {  	[smem:$0x3F97] =	sst lr;
	_ =	strace $0xD0000000  }
0x3: {  	_ = 	snop  }
0x4: {  	_ = 	snop  }
0x5: {  	_ = 	snop  }
0x6: {  	_ = 	snop  }
0x7: {  	_ = 	snop  }
__scs_overlays_trampoline_lowered:
0x8: {  	[smem:$0x3FA6] =	sst s0  }
0x9: {  	[smem:$0x3FA7] =	sst s1  }
0xa: {  	[smem:$0x3FA8] =	sst s2  }
0xb: {  	[smem:$0x3FA9] =	sst s3  }
0xc: {  	[smem:$0x3FAA] =	sst s4  }
0xd: {  	[smem:$0x3FAB] =	sst s5  }
0xe: {  	[smem:$0x3FAC] =	sst s6  }
0xf: {  	[smem:$0x3FAD] =	sst s7  }
0x10: {  	[smem:$0x3FAE] =	sst s8  }
0x11: {  	[smem:$0x3FAF] =	sst s9;
	s0 =	simm.s32 @!p0 $0x0  }
0x12: {  	s1 =	sld [smem:$0x3F95];
	s0 =	simm.s32 @p0 $0x1  }
0x13: {  	[smem:$0x3FB0] =	sst s0;
	s0 =	simm.s32 @!p1 $0x0  }
0x14: {  	s2 =	sld [smem:$0x3F94];
	s0 =	simm.s32 @p1 $0x1  }
0x15: {  	[smem:$0x3FB1] =	sst s0;
	s0 =	simm.s32 @!p2 $0x0  }
0x16: {  	s3 =	sld [smem:$0x3FDB];
	s0 =	simm.s32 @p2 $0x1  }
0x17: {  	s4 =	simm.s32 $0x1BF5;
	[smem:$0x3FB3] =	sst s0  }
0x18: {  	s0 =	sld [smem:$0x3F96];
	_ =	swait.ge [sflag:s4], $0x0  }
0x19: {  	s7 =	sld [smem:$0x3F97]  }
0x1a: {  	s8 =	sadd.s32 $0xFFFFE003, lr  }
0x1b: {  	s9 =	sadd.s32 $0xFFFFFEF7, lr;
	s5 =	simm.s32 $0xFFFFFFFF;
	p2 =	slt.u32 s8, $0xFFFFF086  }
0x1c: {  	p1 =	slt.u32 s9, $0xF7A;
	s5 =	simm.s32 @!p2 $0x0  }
0x1d: {  	s5 =	simm.s32 @p1 $0x1;
	p0 =	seq.s32 s7, s2  }
0x1e: {  	s7 =	smul.u32 @!p0 $0xF7A, s2;
	p2 =	seq.s32 @!p0 s5, $0x0  }
0x1f: {  	s9 =	smul.u32 $0xF7A, s1;
	s8 =	simm.s32 @!p0 $0x1BF5;
	p2 =	por !p2, p0  }
0x20: {  	[sflag:s8] =	ssyncset.s32 @!p0 $0xFFFFF086;
	s6 =	sadd.s32 @!p0 s3, s7;
	s7 =	simm.s32 @!p0 $0x108  }
0x21: {  	s3 =	sadd.s32 s3, s9;
	s6 =	sadd.s32 @!p0 $0x88, s6;
	s7 =	simm.s32 @p2 $0x1082  }
0x22: {  	[simem:s7], [sflag:s8] =	dma.local @!p0 [hbm:s6], $0xF7A  }
0x23: {  	s9 =	sor.u32 $0xD0000000, s2;
	s6 =	simm.s32 $0x108;
	_ =	swait.ge @!p0 [sflag:s8], $0x0  }
0x24: {  	s3 =	sadd.s32 $0x88, s3;
	s6 =	simm.s32 @!p1 $0x1082;
	[sflag:s4] =	ssyncset.s32 $0xFFFFF086  }
0x25: {  	[simem:s6], [sflag:s4] =	dma.local [hbm:s3], $0xF7A  }
0x26: {  	[smem:$0x3F97] =	sst s1;
	(tag) =	ssettag s2;
	_ =	strace s9  }
0x27: {  	s1 =	sld [smem:$0x3FA7]  }
0x28: {  	s2 =	sld [smem:$0x3FA8]  }
0x29: {  	s4 =	sld [smem:$0x3FAA]  }
0x2a: {  	p0 =	seq.s32 s5, $0x0;
	s5 =	sld [smem:$0x3FAB]  }
0x2b: {  	s6 =	sld [smem:$0x3FAC]  }
0x2c: {  	s7 =	sld [smem:$0x3FAD]  }
0x2d: {  	s3 =	simm.s32 $0x108;
	s8 =	sld [smem:$0x3FAE]  }
0x2e: {  	s3 =	simm.s32 @!p0 $0x1082;
	s9 =	sld [smem:$0x3FAF]  }
0x2f: {  	lr =	sadd.s32 s0, s3;
	s0 =	sld [smem:$0x3FA6]  }
0x30: {  	s3 =	sld [smem:$0x3FA9]  }
0x31: {  	[smem:$0x3FB2] =	sst s10  }
0x32: {  	s10 =	sld [smem:$0x3FB0];
	_ =	sdelay $0x3  }
0x33: {  	p0 =	seq.s32 s10, $0x1;
	s10 =	sld [smem:$0x3FB2];
	_ =	sdelay $0x3  }
0x34: {  	[smem:$0x3FB2] =	sst s10  }
0x35: {  	s10 =	sld [smem:$0x3FB1];
	_ =	sdelay $0x3  }
0x36: {  	p1 =	seq.s32 s10, $0x1;
	s10 =	sld [smem:$0x3FB2];
	_ =	sdelay $0x3  }
0x37: {  	[smem:$0x3FB2] =	sst s10  }
0x38: {  	s10 =	sld [smem:$0x3FB3]  }
0x39: {  	_ = 	snop;
	(pc) =	sbr.ind lr, $3  }
0x3a: {  	_ = 	snop  }
0x3b: {  	_ = 	snop  }
0x3c: {  	p2 =	seq.s32 s10, $0x1;
	s10 =	sld [smem:$0x3FB2]  }
0x3d: {  	_ =	shalt  }
0x3e: {  	_ =	shalt  }
0x3f: {  	_ =	shalt  }
0x40: {  	_ =	shalt  }
0x41: {  	_ =	shalt  }
0x42: {  	_ =	shalt  }
0x43: {  	_ =	shalt  }
0x44: {  	_ =	shalt  }
0x45: {  	_ =	shalt  }
0x46: {  	_ =	shalt  }
0x47: {  	_ =	shalt  }
0x48: {  	_ =	shalt  }
0x49: {  	_ =	shalt  }
0x4a: {  	_ =	shalt  }
0x4b: {  	_ =	shalt  }
0x4c: {  	_ =	shalt  }
0x4d: {  	_ =	shalt  }
0x4e: {  	_ =	shalt  }
0x4f: {  	_ =	shalt  }
0x50: {  	_ =	shalt  }
0x51: {  	_ =	shalt  }
0x52: {  	_ =	shalt  }
0x53: {  	_ =	shalt  }
0x54: {  	_ =	shalt  }
0x55: {  	_ =	shalt  }
0x56: {  	_ =	shalt  }
0x57: {  	_ =	shalt  }
0x58: {  	_ =	shalt  }
0x59: {  	_ =	shalt  }
0x5a: {  	_ =	shalt  }
0x5b: {  	_ =	shalt  }
0x5c: {  	_ =	shalt  }
0x5d: {  	_ =	shalt  }
0x5e: {  	_ =	shalt  }
0x5f: {  	_ =	shalt  }
0x60: {  	_ =	shalt  }
0x61: {  	_ =	shalt  }
0x62: {  	_ =	shalt  }
0x63: {  	_ =	shalt  }
0x64: {  	_ =	shalt  }
0x65: {  	_ =	shalt  }
0x66: {  	_ =	shalt  }
0x67: {  	_ =	shalt  }
0x68: {  	_ =	shalt  }
0x69: {  	_ =	shalt  }
0x6a: {  	_ =	shalt  }
0x6b: {  	_ =	shalt  }
0x6c: {  	_ =	shalt  }
0x6d: {  	_ =	shalt  }
0x6e: {  	_ =	shalt  }
0x6f: {  	_ =	shalt  }
0x70: {  	_ =	shalt  }
0x71: {  	_ =	shalt  }
0x72: {  	_ =	shalt  }
0x73: {  	_ =	shalt  }
0x74: {  	_ =	shalt  }
0x75: {  	_ =	shalt  }
0x76: {  	_ =	shalt  }
0x77: {  	_ =	shalt  }
0x78: {  	_ =	shalt  }
0x79: {  	_ =	shalt  }
0x7a: {  	_ =	shalt  }
0x7b: {  	_ =	shalt  }
0x7c: {  	_ =	shalt  }
0x7d: {  	_ =	shalt  }
0x7e: {  	_ =	shalt  }
0x7f: {  	_ =	shalt  }
0x80: {  	_ =	shalt  }
0x81: {  	_ =	shalt  }
0x82: {  	_ =	shalt  }
0x83: {  	_ =	shalt  }
0x84: {  	_ =	shalt  }
0x85: {  	_ =	shalt  }
0x86: {  	_ =	shalt  }
0x87: {  	_ =	shalt  }
.Lfunc_end0:
.L_simem_size_0:
called_computation_lowered:
.L_overlay_start_0:
0x88: {  	s2 =	sld [smem:$0x3FD9]  }
0x89: {  	s3 =	sld [smem:$0x3FFE];
	_ =	sdelay $0x1  }
0x8a: {  	s1 =	srdreg.scid  }
0x8b: {  	s0 =	sand.u32 $0x1, s1  }
0x8c: {  	s16 =	sshll.u32 s0, $0xA;
	s2 =	sadd.s32 s3, s2  }
0x8d: {  	s2 =	sadd.s32 s2, s16  }
0x8e: {  	[smem:$0x3FBE] =	sst s2  }
0x8f: {  	_ = 	snop  }
0x90: {  	(tm) =	ssettm $0x1  }
0x91: {  	s17 =	sld [smem:$0x3FFB];
	_ =	sdelay $0x3  }
0x92: {  	_ =	strace s17  }
0x93: {  	s2 =	sld [smem:$0x3FFC];
	_ =	sdelay $0x3  }
0x94: {  	_ =	strace s2  }
0x95: {  	s2 =	sld [smem:$0x3FFD];
	_ =	sdelay $0x3  }
0x96: {  	_ =	strace s2  }
0x97: {  	_ =	strace $0x8FFFFFFF  }
0x98: {  	s18 =	sld [smem:$0x3FDB];
	_ =	sdelay $0x1  }
0x99: {  	s19 =	simm.s32 $_scs_section_size  }
0x9a: {  	s4 =	simm.s32 $_size__tile_overlayer_lowered;
	s5 =	simm.s32 $_tile_overlayer_lowered  }
0x9b: {  	s22 =	simm.s32 $0x1BFF;
	s21 =	sshll.u32 s5, $0x1;
	s2 =	sadd.s32 s19, s18  }
0x9c: {  	s6 =	simm.s32 $0x0;
	s20 =	sshll.u32 s4, $0x1;
	s4 =	sadd.s32 s21, s2  }
0x9d: {  	[timem:s6], [sflag:s22] =	dma.local [hbm:s4], s20  }
0x9e: {  	_ =	swait.ge [sflag:s22], s20  }
0x9f: {  	s3 =	ssub.s32 $0x0, s20;
	[sflag:s22] =	ssyncset.done $0x0  }
0xa0: {  	[sflag:s22] =	ssyncadd.s32 s3;
	_ =	sdelay $0x1  }
0xa1: {  	s23 =	simm.s32 $0x1B8B  }
0xa2: {  	_ =	swait.ge [sflag:s23], $0x1  }
0xa3: {  	[sflag:s23] =	ssyncset.done $0x0  }
0xa4: {  	s25 =	simm.s32 $0x1B8E;
	s24 =	sld [smem:$0x3FFE];
	[sflag:s23] =	ssyncadd.s32 $0xFFFFFFFF  }
0xa5: {  	s26 =	simm.s32 $execute0_lowered;
	[smem:$0x3FD2] =	sst s25  }
0xa6: {  	s4 =	sshll.u32 s26, $0x1;
	_ =	strace $0x80000046;
	[dreg:$0x1] =	wrdreg $0xFFFFFFFF  }
0xa7: {  	s28 =	simm.s32 $_size_execute0_lowered;
	s2 =	sadd.s32 s2, s4;
	[dreg:$0x0] =	wrdreg $0x0  }
0xa8: {  	s4 =	sshll.u32 s28, $0x1;
	[dreg:$0x2] =	wrdreg s2  }
0xa9: {  	[dreg:$0x3] =	wrdreg s4  }
0xaa: {  	[dreg:$0x4] =	wrdreg $0xC0  }
0xab: {  	_ =	task [dreg:s6], $0x5FFFF  }
0xac: {  	[dreg:$0x1] =	wrdreg $0xFFFFFFFF  }
0xad: {  	[dreg:$0x0] =	wrdreg $0x60  }
0xae: {  	[dreg:$0x2] =	wrdreg s24  }
0xaf: {  	[dreg:$0x3] =	wrdreg $0x9  }
0xb0: {  	_ =	task.clear_ibuf [dreg:s6], $0x4FFFF;
	_ =	strace $0x90000046  }
0xb1: {  	s29 =	simm.s32 $0x9;
	_ =	strace $0x80000048  }
0xb2: {  	_ =	swait.ge [sflag:s29], $0x1  }
0xb3: {  	[sflag:s29] =	ssyncadd.s32 $0xFFFFFFFF  }
0xb4: {  	_ =	strace $0x90000048  }
0xb5: {  	_ =	sfence  }
0xb6: {  	s30 =	sld [smem:$0x0];
	_ =	sdelay $0x2  }
0xb7: {  	s31 =	sshll.u32 s1, $0xD;
	s1 =	sshrl.u32 s1, $0x2  }
0xb8: {  	s3 =	sand.u32 $0x4000, s31;
	s1 =	sadd.s32 s1, s30  }
0xb9: {  	s0 =	sor.u32 s3, s0;
	s1 =	sshll.u32 s1, $0x11  }
0xba: {  	s0 =	sor.u32 s1, s0  }
0xbb: {  	s0 =	sadd.s32 $0x8F2B, s0  }
0xbc: {  	[sflag:s0] =	ssyncadd.remote.s32 $0x1  }
0xbd: {  	_ =	sfence.sel $0xFFFF  }
0xbe: {  	[dreg:$0x0] =	wrdreg $0xFFFFFFFF;
	(pc) =	sbr.abs _section_cstart, $3  }
0xbf: {  	[dreg:$0x1] =	wrdreg $0xFFFFFFFF  }
0xc0: {  	_ =	task.clear_ibuf [dreg:s6], $0x2FFFF;
	_ =	strace $0x9FFFFFFF  }
0xc1: {  	(tm) =	ssettm $0x7FFFFFFF  }
tec
execute0_lowered:
.L_overlay_start_1:
0x0: {  	(tag) =	ssettag $0x1  }
0x1: {  	s0 =	rddreg [dreg:$0x0];
	s2 =	simm.s32 $0x0  }
0x2: {  	s1 =	srdreg.scid;
	s3 =	stileid.u32;
	s8 =	simm.s32 $0x2  }
0x3: {  	s9 =	simm.s32 $0x80;
	s30 =	simm.s32 $0x5800;
	s31 =	simm.s32 $0xD00  }
0x4: {  	s10 =	simm.s32 $0xE00;
	s11 =	simm.s32 $0x7000;
	s12 =	simm.s32 $0xE80  }
0x5: {  	s13 =	simm.s32 $0x7800;
	s14 =	simm.s32 $0xF00;
	s15 =	simm.s32 $0x8000  }
0x6: {  	s16 =	simm.s32 $0xF80;
	s17 =	simm.s32 $0x8800;
	s18 =	simm.s32 $0x1  }
0x7: {  	s19 =	simm.s32 $0x9000;
	s21 =	simm.s32 $0x0;
	[smem:$0x7FF] =	sst s2  }
0x8: {  	s1 =	sand.u32 $0x1, s1;
	s4 =	sshll.u32 s3, $0x1;
	s3 =	sadd.s32 $0x27AE400, s0  }
0x9: {  	_ =	strace $0x80000047;
	s5 =	sor.u32 s1, s4;
	s1 =	ssub.s32 $0x2, s1  }
0xa: {  	s4 =	sadd.s32 $0xA000, s0;
	s6 =	sshll.u32 s5, $0xE;
	s7 =	sshrl.u32 s1, $0x1  }
0xb: {  	v1 =	vlaneseq.u32;
	s5 =	sshll.u32 s5, $0x8;
	s0 =	sadd.s32 s6, s0;
	s1 =	ssub.s32 s1, s7  }
0xc: {  	v0 =	vshrl.u32 v1, $0x3;
	v1 =	vand.u32 $0x7, v1;
	s7 =	simm.s32 $0x6800;
	s6 =	sadd.s32 $0x12000, s0;
	s29 =	smax.u32 s1, $0x1  }
0xd: {  	v2 =	vmul.u32 $0x20, v0;
	v3 =	vadd.s32 $0xFFFFFFE6, v1;
	s0 =	simm.s32 $0x6000;
	s1 =	simm.s32 $0xD80;
	[dreg:$0x2] =	wrdreg s29  }
.LBB2_1:
0xe: {  	[dreg:$0x3] =	wrdreg s21;
	s20 =	simm.s32 $0x0  }
.LBB2_2:
0xf: {  	s21 =	simm.s32 $0x0;
	s22 =	simm.s32 $0x0  }
0x10: {  	s23 =	sand.u32 $0x6, s21;
	s22 =	sand.u32 $0x38, s22  }
0x11: {  	s22 =	sor.u32 s23, s22  }
0x12: {  	s26 =	sshll.u32 s20, $0x6;
	s24 =	sand.u32 $0x18, s21;
	v4 =	vmov s22  }
0x13: {  	s23 =	sadd.s32 s5, s26;
	v6 =	vor.u32 s24, v1;
	v4 =	vshll.u32 v4, $0x5  }
0x14: {  	s25 =	sshll.u32 s23, $0x2;
	v5 =	vmin.u32 v6, $0x19;
	v4 =	vor.u32 v2, v4  }
0x15: {  	s25 =	sadd.s32 s4, s25;
	v4 =	vor.u32 v5, v4  }
0x16: {  	[tilespmem:s21], [sflag:$0x2] =	stream.linear.gather [hbm4b:s25+s21], $0x800, $0x38;
	[tilespmem:$0x11000] =	vst v63  }
0x17: {  	_ =	swait.ge [sflag:s8], $0x800  }
0x18: {  	s26 =	simm.s32 $0x0;
	s25 =	simm.s32 $0x2;
	[sflag:s8] =	ssyncset.done $0x0  }
0x19: {  	s26 =	sand.u32 $0x38, s26;
	s29 =	sand.u32 $0x6, s25;
	[sflag:s8] =	ssyncadd.s32 $0xFFFFF800  }
0x1a: {  	v7 =	vld.idx.msk [tilespmem:v4+s2+$0x0], $0xffff;
	v4 =	vor.u32 s23, v0;
	s23 =	sor.u32 s29, s26  }
0x1b: {  	v5 =	vor.u32 s22, v4;
	v8 =	vmov s23;
	s22 =	sand.u32 $0x18, s25  }
0x1c: {  	v9 =	vmul.u32 $0x6, v5;
	v8 =	vshll.u32 v8, $0x5;
	v5 =	vor.u32 s22, v1  }
0x1d: {  	v63 =	vmin.u32 v5, $0x19;
	v8 =	vor.u32 v2, v8  }
0x1e: {  	v10 =	vmul.u32 $0x186A0, v6;
	vm0 =	vlt.u32 v6, $0x1A;
	v6 =	vor.u32 v63, v8  }
0x1f: {  	v9 =	vadd.s32 s24, v9  }
0x20: {  	s28 =	sand.u32 $0x7F0, s21;
	v7 =	vadd.s32 v10, v7;
	v9 =	vadd.s32 v3, v9  }
0x21: {  	s26 =	simm.s32 $0x1;
	s25 =	simm.s32 $0x3;
	s24 =	simm.s32 $0x4;
	v7 =	vsel vm0, v7, v9  }
.LBB2_3:
0x22: {  	p0 =	sne.s32 s25, $0x7F;
	s29 =	sand.u32 $0x6, s24;
	s26 =	sand.u32 $0x38, s26;
	[tilespmem:s28+$0x800] =	vst v7  }
0x23: {  	s26 =	sor.u32 s29, s26;
	v7 =	vld.idx.msk [tilespmem:v6+s2+$0x0], $0xffff  }
0x24: {  	s28 =	sand.u32 $0x18, s24;
	v6 =	vmov s26  }
0x25: {  	v9 =	vor.u32 s23, v4;
	v8 =	vor.u32 s28, v1;
	s23 =	smov.u32 s26;
	v6 =	vshll.u32 v6, $0x5  }
.Ltmp0:
0x26: {  	v9 =	vmul.u32 $0x6, v9;
	v10 =	vmin.u32 v8, $0x19;
	v6 =	vor.u32 v2, v6;
	(pc) =	sbr.rel @p0 .LBB2_3-.Ltmp0, $4  }
0x27: {  	v6 =	vor.u32 v10, v6;
	v10 =	vmul.u32 $0x186A0, v5  }
0x28: {  	v9 =	vadd.s32 s22, v9;
	s22 =	smov.u32 s28  }
0x29: {  	s24 =	sadd.s32 $0x2, s24;
	vm0 =	vlt.u32 v5, $0x1A;
	s21 =	sadd.s32 $0x10, s21;
	v9 =	vadd.s32 v3, v9;
	v5 =	vmovc v8;
	v7 =	vadd.s32 v10, v7  }
0x2a: {  	s26 =	sshrl.u32 s25, $0x1;
	s25 =	sadd.s32 $0x1, s25;
	s28 =	sand.u32 $0x7F0, s21;
	v7 =	vsel vm0, v7, v9  }
0x2b: {  	_ =	sdelay $0x1  }
0x2c: {  	s25 =	sand.u32 $0x6, s24;
	s26 =	sand.u32 $0x38, s26  }
0x2d: {  	[tilespmem:s28+$0x800] =	vst v7;
	s25 =	sor.u32 s25, s26  }
0x2e: {  	s28 =	sand.u32 $0x18, s24;
	v6 =	vld.idx.msk [tilespmem:v6+s2+$0x0], $0xffff;
	v7 =	vmov s25  }
0x2f: {  	v8 =	vor.u32 s23, v4;
	v9 =	vor.u32 s28, v1;
	v7 =	vshll.u32 v7, $0x5  }
0x30: {  	v8 =	vmul.u32 $0x6, v8;
	v10 =	vmin.u32 v9, $0x19;
	v7 =	vor.u32 v2, v7  }
0x31: {  	v7 =	vor.u32 v10, v7;
	v10 =	vmul.u32 $0x186A0, v5  }
0x32: {  	v8 =	vadd.s32 s22, v8  }
0x33: {  	vm0 =	vlt.u32 v5, $0x1A;
	s21 =	sadd.s32 $0x10, s21;
	v5 =	vadd.s32 v10, v6;
	v6 =	vadd.s32 v3, v8  }
0x34: {  	s29 =	sand.u32 $0x7F0, s21;
	v5 =	vsel vm0, v5, v6  }
0x35: {  	[tilespmem:s29+$0x800] =	vst v5  }
0x36: {  	v5 =	vld.idx.msk [tilespmem:v7+s2+$0x0], $0xffff  }
0x37: {  	v4 =	vor.u32 s25, v4  }
0x38: {  	v4 =	vmul.u32 $0x6, v4  }
0x39: {  	v6 =	vmul.u32 $0x186A0, v9  }
0x3a: {  	v4 =	vadd.s32 s28, v4  }
0x3b: {  	s21 =	sadd.s32 $0x10, s21;
	vm15 =	vlt.u32 v9, $0x1A;
	v4 =	vadd.s32 v3, v4;
	v5 =	vadd.s32 v6, v5  }
0x3c: {  	s21 =	sand.u32 $0x7F0, s21;
	v4 =	vsel vm15, v5, v4  }
0x3d: {  	s23 =	simm.s32 $0x800;
	s24 =	simm.s32 $0x1000;
	[tilespmem:s21+$0x800] =	vst v4  }
0x3e: {  	[tilespmem:s24], [sflag:$0x1] =	stream.indirect.gather [hbm4b:s3+s9], $0x10, s23, s9, $0xb8;
	[tilespmem:$0x11000] =	vst v63  }
0x3f: {  	s26 =	simm.s32 $0x1800;
	s25 =	simm.s32 $0x880  }
0x40: {  	[tilespmem:s26], [sflag:$0x1] =	stream.indirect.gather [hbm4b:s3+s9], $0x10, s25, s9, $0xb8;
	[tilespmem:$0x11000] =	vst v63  }
0x41: {  	s28 =	simm.s32 $0x900;
	s29 =	simm.s32 $0x2000  }
0x42: {  	[tilespmem:s29], [sflag:$0x1] =	stream.indirect.gather [hbm4b:s3+s9], $0x10, s28, s9, $0xb8;
	[tilespmem:$0x11000] =	vst v63  }
0x43: {  	s23 =	simm.s32 $0x980;
	s24 =	simm.s32 $0x2800  }
0x44: {  	[tilespmem:s24], [sflag:$0x1] =	stream.indirect.gather [hbm4b:s3+s9], $0x10, s23, s9, $0xb8;
	[tilespmem:$0x11000] =	vst v63  }
0x45: {  	s25 =	simm.s32 $0xA00;
	s26 =	simm.s32 $0x3000  }
0x46: {  	[tilespmem:s26], [sflag:$0x1] =	stream.indirect.gather [hbm4b:s3+s9], $0x10, s25, s9, $0xb8;
	[tilespmem:$0x11000] =	vst v63  }
0x47: {  	s28 =	simm.s32 $0xA80;
	s29 =	simm.s32 $0x3800  }
0x48: {  	[tilespmem:s29], [sflag:$0x1] =	stream.indirect.gather [hbm4b:s3+s9], $0x10, s28, s9, $0xb8;
	[tilespmem:$0x11000] =	vst v63  }
0x49: {  	s22 =	simm.s32 $0xB00;
	s23 =	simm.s32 $0x4000  }
0x4a: {  	[tilespmem:s23], [sflag:$0x1] =	stream.indirect.gather [hbm4b:s3+s9], $0x10, s22, s9, $0xb8;
	[tilespmem:$0x11000] =	vst v63  }
0x4b: {  	s24 =	simm.s32 $0xB80;
	s25 =	simm.s32 $0x4800  }
0x4c: {  	[tilespmem:s25], [sflag:$0x1] =	stream.indirect.gather [hbm4b:s3+s9], $0x10, s24, s9, $0xb8;
	[tilespmem:$0x11000] =	vst v63  }
0x4d: {  	s26 =	simm.s32 $0xC00;
	s28 =	simm.s32 $0x5000  }
0x4e: {  	[tilespmem:s28], [sflag:$0x1] =	stream.indirect.gather [hbm4b:s3+s9], $0x10, s26, s9, $0xb8;
	[tilespmem:$0x11000] =	vst v63  }
0x4f: {  	s29 =	simm.s32 $0xC80  }
0x50: {  	[tilespmem:s30], [sflag:$0x1] =	stream.indirect.gather [hbm4b:s3+s9], $0x10, s29, s9, $0xb8;
	[tilespmem:$0x11000] =	vst v63  }
0x51: {  	_ = 	snop  }
0x52: {  	[tilespmem:s0], [sflag:$0x1] =	stream.indirect.gather [hbm4b:s3+s9], $0x10, s31, s9, $0xb8;
	[tilespmem:$0x11000] =	vst v63  }
0x53: {  	_ = 	snop  }
0x54: {  	[tilespmem:s7], [sflag:$0x1] =	stream.indirect.gather [hbm4b:s3+s9], $0x10, s1, s9, $0xb8;
	[tilespmem:$0x11000] =	vst v63  }
0x55: {  	_ = 	snop  }
0x56: {  	[tilespmem:s11], [sflag:$0x1] =	stream.indirect.gather [hbm4b:s3+s9], $0x10, s10, s9, $0xb8;
	[tilespmem:$0x11000] =	vst v63  }
0x57: {  	_ = 	snop  }
0x58: {  	[tilespmem:s13], [sflag:$0x1] =	stream.indirect.gather [hbm4b:s3+s9], $0x10, s12, s9, $0xb8;
	[tilespmem:$0x11000] =	vst v63  }
0x59: {  	_ = 	snop  }
0x5a: {  	[tilespmem:s15], [sflag:$0x1] =	stream.indirect.gather [hbm4b:s3+s9], $0x10, s14, s9, $0xb8;
	[tilespmem:$0x11000] =	vst v63  }
0x5b: {  	_ = 	snop  }
0x5c: {  	[tilespmem:s17], [sflag:$0x1] =	stream.indirect.gather [hbm4b:s3+s9], $0x10, s16, s9, $0xb8;
	[tilespmem:$0x11000] =	vst v63  }
0x5d: {  	_ =	swait.ge [sflag:s18], $0x800  }
0x5e: {  	[sflag:s18] =	ssyncset.done $0x0  }
0x5f: {  	[sflag:s18] =	ssyncadd.s32 $0xFFFFF800  }
0x60: {  	_ =	swait.ge [sflag:s18], $0x800  }
0x61: {  	[sflag:s18] =	ssyncset.done $0x0  }
0x62: {  	[sflag:s18] =	ssyncadd.s32 $0xFFFFF800  }
0x63: {  	_ =	swait.ge [sflag:s18], $0x800  }
0x64: {  	[sflag:s18] =	ssyncset.done $0x0  }
0x65: {  	[sflag:s18] =	ssyncadd.s32 $0xFFFFF800  }
0x66: {  	_ =	swait.ge [sflag:s18], $0x800  }
0x67: {  	[sflag:s18] =	ssyncset.done $0x0  }
0x68: {  	[sflag:s18] =	ssyncadd.s32 $0xFFFFF800  }
0x69: {  	_ =	swait.ge [sflag:s18], $0x800  }
0x6a: {  	[sflag:s18] =	ssyncset.done $0x0  }
0x6b: {  	[sflag:s18] =	ssyncadd.s32 $0xFFFFF800  }
0x6c: {  	_ =	swait.ge [sflag:s18], $0x800  }
0x6d: {  	[sflag:s18] =	ssyncset.done $0x0  }
0x6e: {  	[sflag:s18] =	ssyncadd.s32 $0xFFFFF800  }
0x6f: {  	_ =	swait.ge [sflag:s18], $0x800  }
0x70: {  	[sflag:s18] =	ssyncset.done $0x0  }
0x71: {  	[sflag:s18] =	ssyncadd.s32 $0xFFFFF800  }
0x72: {  	_ =	swait.ge [sflag:s18], $0x800  }
0x73: {  	[sflag:s18] =	ssyncset.done $0x0  }
0x74: {  	[sflag:s18] =	ssyncadd.s32 $0xFFFFF800  }
0x75: {  	_ =	swait.ge [sflag:s18], $0x800  }
0x76: {  	[sflag:s18] =	ssyncset.done $0x0  }
0x77: {  	[sflag:s18] =	ssyncadd.s32 $0xFFFFF800  }
0x78: {  	_ =	swait.ge [sflag:s18], $0x800  }
0x79: {  	[sflag:s18] =	ssyncset.done $0x0  }
0x7a: {  	[sflag:s18] =	ssyncadd.s32 $0xFFFFF800  }
0x7b: {  	_ =	swait.ge [sflag:s18], $0x800  }
0x7c: {  	[sflag:s18] =	ssyncset.done $0x0  }
0x7d: {  	[sflag:s18] =	ssyncadd.s32 $0xFFFFF800  }
0x7e: {  	_ =	swait.ge [sflag:s18], $0x800  }
0x7f: {  	[sflag:s18] =	ssyncset.done $0x0  }
0x80: {  	[sflag:s18] =	ssyncadd.s32 $0xFFFFF800  }
0x81: {  	_ =	swait.ge [sflag:s18], $0x800  }
0x82: {  	[sflag:s18] =	ssyncset.done $0x0  }
0x83: {  	[sflag:s18] =	ssyncadd.s32 $0xFFFFF800  }
0x84: {  	_ =	swait.ge [sflag:s18], $0x800  }
0x85: {  	[sflag:s18] =	ssyncset.done $0x0  }
0x86: {  	[sflag:s18] =	ssyncadd.s32 $0xFFFFF800  }
0x87: {  	_ =	swait.ge [sflag:s18], $0x800  }
0x88: {  	[sflag:s18] =	ssyncset.done $0x0  }
0x89: {  	[sflag:s18] =	ssyncadd.s32 $0xFFFFF800  }
0x8a: {  	_ =	swait.ge [sflag:s18], $0x800  }
0x8b: {  	[sflag:s18] =	ssyncset.done $0x0  }
0x8c: {  	s21 =	simm.s32 $0x0;
	[sflag:s18] =	ssyncadd.s32 $0xFFFFF800  }
0x8d: {  	v7 =	vld [tilespmem:s21+$0x1070]  }
0x8e: {  	v8 =	vld [tilespmem:s21+$0x1000]  }
0x8f: {  	v9 =	vld [tilespmem:s21+$0x1010]  }
0x90: {  	v6 =	vld [tilespmem:s21+$0x1020]  }
0x91: {  	v4 =	vld [tilespmem:s21+$0x1030]  }
0x92: {  	v5 =	vld [tilespmem:s21+$0x1040];
	[tilespmem:s21+$0x9070] =	vst v7  }
0x93: {  	[tilespmem:s21+$0x9000] =	vst v8;
	v7 =	vld [tilespmem:s21+$0x1050]  }
0x94: {  	s22 =	simm.s32 $0x80;
	s23 =	simm.s32 $0x400;
	[tilespmem:s21+$0x9010] =	vst v9;
	v8 =	vld [tilespmem:s21+$0x1060]  }
.LBB2_5:
0x95: {  	p0 =	sne.s32 s23, $0x1FE00;
	v9 =	vld [tilespmem:s22+$0x1070];
	[tilespmem:s21+$0x9020] =	vst v6  }
0x96: {  	v10 =	vld [tilespmem:s22+$0x1000];
	[tilespmem:s21+$0x9030] =	vst v4  }
0x97: {  	v11 =	vld [tilespmem:s22+$0x1010];
	[tilespmem:s21+$0x9040] =	vst v5  }
.Ltmp1:
0x98: {  	v6 =	vld [tilespmem:s22+$0x1020];
	[tilespmem:s21+$0x9050] =	vst v7;
	(pc) =	sbr.rel @p0 .LBB2_5-.Ltmp1, $4  }
0x99: {  	v4 =	vld [tilespmem:s22+$0x1030];
	[tilespmem:s21+$0x9060] =	vst v8;
	s21 =	smov.u32 s22  }
0x9a: {  	v5 =	vld [tilespmem:s21+$0x1040];
	[tilespmem:s21+$0x9070] =	vst v9  }
0x9b: {  	[tilespmem:s21+$0x9000] =	vst v10;
	v7 =	vld [tilespmem:s21+$0x1050]  }
0x9c: {  	s22 =	sshra.s32 s23, $0x2;
	s23 =	sadd.s32 $0x200, s23;
	[tilespmem:s21+$0x9010] =	vst v11;
	v8 =	vld [tilespmem:s21+$0x1060]  }
0x9d: {  	v9 =	vld [tilespmem:s22+$0x1070];
	[tilespmem:s21+$0x9020] =	vst v6  }
0x9e: {  	v6 =	vld [tilespmem:s22+$0x1000];
	[tilespmem:s21+$0x9030] =	vst v4  }
0x9f: {  	v4 =	vld [tilespmem:s22+$0x1010];
	[tilespmem:s21+$0x9040] =	vst v5  }
0xa0: {  	v5 =	vld [tilespmem:s22+$0x1020];
	[tilespmem:s21+$0x9050] =	vst v7  }
0xa1: {  	v7 =	vld [tilespmem:s22+$0x1030];
	[tilespmem:s21+$0x9060] =	vst v8  }
0xa2: {  	v8 =	vld [tilespmem:s22+$0x1040];
	[tilespmem:s22+$0x9070] =	vst v9  }
0xa3: {  	v63 =	vld [tilespmem:s22+$0x1050];
	[tilespmem:s22+$0x9000] =	vst v6  }
0xa4: {  	[tilespmem:s22+$0x9010] =	vst v4;
	v4 =	vld [tilespmem:s22+$0x1060]  }
0xa5: {  	[tilespmem:s22+$0x9020] =	vst v5  }
0xa6: {  	[tilespmem:s22+$0x9030] =	vst v7  }
0xa7: {  	s29 =	sshll.u32 s20, $0xC;
	s20 =	sadd.s32 $0x1, s20;
	[tilespmem:s22+$0x9040] =	vst v8  }
0xa8: {  	p0 =	sne.s32 s20, $0x4;
	[tilespmem:s22+$0x9050] =	vst v63  }
.Ltmp2:
0xa9: {  	s21 =	sadd.s32 s29, s6;
	[tilespmem:s22+$0x9060] =	vst v4;
	(pc) =	sbr.rel @p0 .LBB2_2-.Ltmp2, $4  }
0xaa: {  	[hbm4b:s21+s2] =	stream.linear.scatter [tilespmem:s19], [sflag:$0x2], $0x8000, $0x38;
	[tilespmem:$0x11000] =	vst v63  }
0xab: {  	_ =	swait.ge [sflag:s8], $0x8000  }
0xac: {  	[sflag:s8] =	ssyncset.done $0x0  }
0xad: {  	[sflag:s8] =	ssyncadd.s32 $0xFFFF8000  }
0xae: {  	s21 =	rddreg [dreg:$0x3]  }
0xaf: {  	s20 =	rddreg [dreg:$0x2];
	s21 =	sadd.s32 $0x1, s21  }
0xb0: {  	p0 =	sne.s32 s21, s20  }
.Ltmp3:
0xb1: {  	_ = 	snop;
	(pc) =	sbr.rel @p0 .LBB2_1-.Ltmp3, $1  }
0xb2: {  	_ =	sdelay $0x3  }
0xb3: {  	_ =	sfence.sel $0x180000  }
0xb4: {  	[bflag:$0x0] =	sbarrier.arrive $0xFFFF  }
0xb5: {  	_ =	strace $0x90000047  }
0xb6: {  	s0 =	stileid.u32;
	[bflag:$0x2] =	sbarrier.arrive $0xFFFF  }
0xb7: {  	p0 =	sne.s32 s0, $0x0;
	s0 =	rddreg [dreg:$0x1]  }
0xb8: {  	s0 =	sadd.s32 @!p0 $0x100000, s0  }
0xb9: {  	[sflag:s0] =	ssyncadd.tile.s32 @!p0 $0x1;
	_ =	shalt  }
.Lfunc_end2:
_tile_overlayer_lowered:
.L_overlay_start_2:
0xba: {  	(tag) =	ssettag $0x2  }
0xbb: {  	s0 =	rddreg [dreg:$0x0];
	s2 =	stileid.u32  }
0xbc: {  	s1 =	rddreg [dreg:$0x1];
	p0 =	sne.s32 s2, $0x0  }
0xbd: {  	s3 =	rddreg [dreg:$0x2];
	[bflag:$0x3] =	sbarrier.arrive $0xFFFF;
	s2 =	simm.s32 @!p0 $0x1C02  }
0xbe: {  	[timem:s3], [sflag:s2] =	dma.local @!p0 [hbm:s0], s1  }
0xbf: {  	s0 =	simm.s32 @!p0 $0x2  }
0xc0: {  	_ =	swait.ge @!p0 [sflag:s0], s1  }
0xc1: {  	s1 =	ssub.s32 @!p0 $0x0, s1;
	[sflag:s0] =	ssyncset.done @!p0 $0x0  }
0xc2: {  	[sflag:s0] =	ssyncadd.s32 @!p0 s1  }
0xc3: {  	[bflag:$0x3] =	sbarrier.arrive $0xFFFF  }
0xc4: {  	_ =	shalt  }

// kernel: kernel.9.cloned.1.call-start
scs
__scs_entry_jumppad:
0x0: {  	(pc) =	sbr.rel $0x88, $3  }
0x1: {  	(tag) =	ssettag $0x0;
	lr =	simm.s32 $0x1  }
0x2: {  	[smem:$0x3F97] =	sst lr;
	_ =	strace $0xD0000000  }
0x3: {  	_ = 	snop  }
0x4: {  	_ = 	snop  }
0x5: {  	_ = 	snop  }
0x6: {  	_ = 	snop  }
0x7: {  	_ = 	snop  }
__scs_overlays_trampoline_lowered:
0x8: {  	[smem:$0x3FA6] =	sst s0  }
0x9: {  	[smem:$0x3FA7] =	sst s1  }
0xa: {  	[smem:$0x3FA8] =	sst s2  }
0xb: {  	[smem:$0x3FA9] =	sst s3  }
0xc: {  	[smem:$0x3FAA] =	sst s4  }
0xd: {  	[smem:$0x3FAB] =	sst s5  }
0xe: {  	[smem:$0x3FAC] =	sst s6  }
0xf: {  	[smem:$0x3FAD] =	sst s7  }
0x10: {  	[smem:$0x3FAE] =	sst s8  }
0x11: {  	[smem:$0x3FAF] =	sst s9;
	s0 =	simm.s32 @!p0 $0x0  }
0x12: {  	s1 =	sld [smem:$0x3F95];
	s0 =	simm.s32 @p0 $0x1  }
0x13: {  	[smem:$0x3FB0] =	sst s0;
	s0 =	simm.s32 @!p1 $0x0  }
0x14: {  	s2 =	sld [smem:$0x3F94];
	s0 =	simm.s32 @p1 $0x1  }
0x15: {  	[smem:$0x3FB1] =	sst s0;
	s0 =	simm.s32 @!p2 $0x0  }
0x16: {  	s3 =	sld [smem:$0x3FDB];
	s0 =	simm.s32 @p2 $0x1  }
0x17: {  	s4 =	simm.s32 $0x1BF5;
	[smem:$0x3FB3] =	sst s0  }
0x18: {  	s0 =	sld [smem:$0x3F96];
	_ =	swait.ge [sflag:s4], $0x0  }
0x19: {  	s7 =	sld [smem:$0x3F97]  }
0x1a: {  	s8 =	sadd.s32 $0xFFFFE003, lr  }
0x1b: {  	s9 =	sadd.s32 $0xFFFFFEF7, lr;
	s5 =	simm.s32 $0xFFFFFFFF;
	p2 =	slt.u32 s8, $0xFFFFF086  }
0x1c: {  	p1 =	slt.u32 s9, $0xF7A;
	s5 =	simm.s32 @!p2 $0x0  }
0x1d: {  	s5 =	simm.s32 @p1 $0x1;
	p0 =	seq.s32 s7, s2  }
0x1e: {  	s7 =	smul.u32 @!p0 $0xF7A, s2;
	p2 =	seq.s32 @!p0 s5, $0x0  }
0x1f: {  	s9 =	smul.u32 $0xF7A, s1;
	s8 =	simm.s32 @!p0 $0x1BF5;
	p2 =	por !p2, p0  }
0x20: {  	[sflag:s8] =	ssyncset.s32 @!p0 $0xFFFFF086;
	s6 =	sadd.s32 @!p0 s3, s7;
	s7 =	simm.s32 @!p0 $0x108  }
0x21: {  	s3 =	sadd.s32 s3, s9;
	s6 =	sadd.s32 @!p0 $0x88, s6;
	s7 =	simm.s32 @p2 $0x1082  }
0x22: {  	[simem:s7], [sflag:s8] =	dma.local @!p0 [hbm:s6], $0xF7A  }
0x23: {  	s9 =	sor.u32 $0xD0000000, s2;
	s6 =	simm.s32 $0x108;
	_ =	swait.ge @!p0 [sflag:s8], $0x0  }
0x24: {  	s3 =	sadd.s32 $0x88, s3;
	s6 =	simm.s32 @!p1 $0x1082;
	[sflag:s4] =	ssyncset.s32 $0xFFFFF086  }
0x25: {  	[simem:s6], [sflag:s4] =	dma.local [hbm:s3], $0xF7A  }
0x26: {  	[smem:$0x3F97] =	sst s1;
	(tag) =	ssettag s2;
	_ =	strace s9  }
0x27: {  	s1 =	sld [smem:$0x3FA7]  }
0x28: {  	s2 =	sld [smem:$0x3FA8]  }
0x29: {  	s4 =	sld [smem:$0x3FAA]  }
0x2a: {  	p0 =	seq.s32 s5, $0x0;
	s5 =	sld [smem:$0x3FAB]  }
0x2b: {  	s6 =	sld [smem:$0x3FAC]  }
0x2c: {  	s7 =	sld [smem:$0x3FAD]  }
0x2d: {  	s3 =	simm.s32 $0x108;
	s8 =	sld [smem:$0x3FAE]  }
0x2e: {  	s3 =	simm.s32 @!p0 $0x1082;
	s9 =	sld [smem:$0x3FAF]  }
0x2f: {  	lr =	sadd.s32 s0, s3;
	s0 =	sld [smem:$0x3FA6]  }
0x30: {  	s3 =	sld [smem:$0x3FA9]  }
0x31: {  	[smem:$0x3FB2] =	sst s10  }
0x32: {  	s10 =	sld [smem:$0x3FB0];
	_ =	sdelay $0x3  }
0x33: {  	p0 =	seq.s32 s10, $0x1;
	s10 =	sld [smem:$0x3FB2];
	_ =	sdelay $0x3  }
0x34: {  	[smem:$0x3FB2] =	sst s10  }
0x35: {  	s10 =	sld [smem:$0x3FB1];
	_ =	sdelay $0x3  }
0x36: {  	p1 =	seq.s32 s10, $0x1;
	s10 =	sld [smem:$0x3FB2];
	_ =	sdelay $0x3  }
0x37: {  	[smem:$0x3FB2] =	sst s10  }
0x38: {  	s10 =	sld [smem:$0x3FB3]  }
0x39: {  	_ = 	snop;
	(pc) =	sbr.ind lr, $3  }
0x3a: {  	_ = 	snop  }
0x3b: {  	_ = 	snop  }
0x3c: {  	p2 =	seq.s32 s10, $0x1;
	s10 =	sld [smem:$0x3FB2]  }
0x3d: {  	_ =	shalt  }
0x3e: {  	_ =	shalt  }
0x3f: {  	_ =	shalt  }
0x40: {  	_ =	shalt  }
0x41: {  	_ =	shalt  }
0x42: {  	_ =	shalt  }
0x43: {  	_ =	shalt  }
0x44: {  	_ =	shalt  }
0x45: {  	_ =	shalt  }
0x46: {  	_ =	shalt  }
0x47: {  	_ =	shalt  }
0x48: {  	_ =	shalt  }
0x49: {  	_ =	shalt  }
0x4a: {  	_ =	shalt  }
0x4b: {  	_ =	shalt  }
0x4c: {  	_ =	shalt  }
0x4d: {  	_ =	shalt  }
0x4e: {  	_ =	shalt  }
0x4f: {  	_ =	shalt  }
0x50: {  	_ =	shalt  }
0x51: {  	_ =	shalt  }
0x52: {  	_ =	shalt  }
0x53: {  	_ =	shalt  }
0x54: {  	_ =	shalt  }
0x55: {  	_ =	shalt  }
0x56: {  	_ =	shalt  }
0x57: {  	_ =	shalt  }
0x58: {  	_ =	shalt  }
0x59: {  	_ =	shalt  }
0x5a: {  	_ =	shalt  }
0x5b: {  	_ =	shalt  }
0x5c: {  	_ =	shalt  }
0x5d: {  	_ =	shalt  }
0x5e: {  	_ =	shalt  }
0x5f: {  	_ =	shalt  }
0x60: {  	_ =	shalt  }
0x61: {  	_ =	shalt  }
0x62: {  	_ =	shalt  }
0x63: {  	_ =	shalt  }
0x64: {  	_ =	shalt  }
0x65: {  	_ =	shalt  }
0x66: {  	_ =	shalt  }
0x67: {  	_ =	shalt  }
0x68: {  	_ =	shalt  }
0x69: {  	_ =	shalt  }
0x6a: {  	_ =	shalt  }
0x6b: {  	_ =	shalt  }
0x6c: {  	_ =	shalt  }
0x6d: {  	_ =	shalt  }
0x6e: {  	_ =	shalt  }
0x6f: {  	_ =	shalt  }
0x70: {  	_ =	shalt  }
0x71: {  	_ =	shalt  }
0x72: {  	_ =	shalt  }
0x73: {  	_ =	shalt  }
0x74: {  	_ =	shalt  }
0x75: {  	_ =	shalt  }
0x76: {  	_ =	shalt  }
0x77: {  	_ =	shalt  }
0x78: {  	_ =	shalt  }
0x79: {  	_ =	shalt  }
0x7a: {  	_ =	shalt  }
0x7b: {  	_ =	shalt  }
0x7c: {  	_ =	shalt  }
0x7d: {  	_ =	shalt  }
0x7e: {  	_ =	shalt  }
0x7f: {  	_ =	shalt  }
0x80: {  	_ =	shalt  }
0x81: {  	_ =	shalt  }
0x82: {  	_ =	shalt  }
0x83: {  	_ =	shalt  }
0x84: {  	_ =	shalt  }
0x85: {  	_ =	shalt  }
0x86: {  	_ =	shalt  }
0x87: {  	_ =	shalt  }
.Lfunc_end0:
.L_simem_size_0:
called_computation.1_lowered:
.L_overlay_start_0:
0x88: {  	s2 =	sld [smem:$0x3FD9]  }
0x89: {  	s3 =	sld [smem:$0x3FFE];
	_ =	sdelay $0x1  }
0x8a: {  	s1 =	srdreg.scid  }
0x8b: {  	s0 =	sand.u32 $0x1, s1  }
0x8c: {  	s17 =	sshll.u32 s0, $0xA;
	s2 =	sadd.s32 s3, s2  }
0x8d: {  	s2 =	sadd.s32 s2, s17  }
0x8e: {  	[smem:$0x3FBE] =	sst s2  }
0x8f: {  	_ = 	snop  }
0x90: {  	(tm) =	ssettm $0x1  }
0x91: {  	s18 =	sld [smem:$0x3FFB];
	_ =	sdelay $0x3  }
0x92: {  	_ =	strace s18  }
0x93: {  	s2 =	sld [smem:$0x3FFC];
	_ =	sdelay $0x3  }
0x94: {  	_ =	strace s2  }
0x95: {  	s2 =	sld [smem:$0x3FFD];
	_ =	sdelay $0x3  }
0x96: {  	_ =	strace s2  }
0x97: {  	_ =	strace $0x8FFFFFFF  }
0x98: {  	s19 =	sld [smem:$0x3FDB];
	_ =	sdelay $0x1  }
0x99: {  	s20 =	simm.s32 $_scs_section_size  }
0x9a: {  	s4 =	simm.s32 $_size__tile_overlayer_lowered;
	s5 =	simm.s32 $_tile_overlayer_lowered  }
0x9b: {  	s6 =	simm.s32 $0x1BFF;
	s21 =	sshll.u32 s5, $0x1;
	s3 =	sadd.s32 s20, s19  }
0x9c: {  	s22 =	simm.s32 $0x0;
	s4 =	sshll.u32 s4, $0x1;
	s5 =	sadd.s32 s21, s3  }
0x9d: {  	[timem:s22], [sflag:s6] =	dma.local [hbm:s5], s4  }
0x9e: {  	_ =	swait.ge [sflag:s6], s4  }
0x9f: {  	s4 =	ssub.s32 $0x0, s4;
	[sflag:s6] =	ssyncset.done $0x0  }
0xa0: {  	[sflag:s6] =	ssyncadd.s32 s4;
	_ =	sdelay $0x1  }
0xa1: {  	s23 =	simm.s32 $0x1B8B  }
0xa2: {  	_ =	swait.ge [sflag:s23], $0x1  }
0xa3: {  	[sflag:s23] =	ssyncset.done $0x0  }
0xa4: {  	[sflag:s23] =	ssyncadd.s32 $0xFFFFFFFF  }
0xa5: {  	s4 =	sld [smem:$0x0]  }
0xa6: {  	s5 =	sand.u32 $0xFFFFFFFE, s1  }
0xa7: {  	p0 =	sne.s32 s1, s5  }
0xa8: {  	s5 =	sshll.u32 @p0 s5, $0xE  }
0xa9: {  	s5 =	sadd.s32 @p0 $0x11B8D, s5;
	s6 =	sshll.u32 @p0 s4, $0x11  }
0xaa: {  	s5 =	sor.u32 @p0 s6, s5  }
0xab: {  	[sflag:s5] =	ssyncadd.remote.s32 @p0 $0x1;
	_ =	sdelay $0x1  }
0xac: {  	s5 =	simm.s32 @p0 $0x1B8D  }
0xad: {  	_ =	swait.eq @p0 [sflag:s5], $0x1  }
0xae: {  	[sflag:s5] =	ssyncadd.s32 @p0 $0xFFFFFFFF  }
0xaf: {  	s6 =	sshll.u32 @!p0 s1, $0xE  }
0xb0: {  	s6 =	sor.u32 @!p0 $0x4000, s6;
	s5 =	simm.s32 @!p0 $0x1B8D  }
0xb1: {  	s4 =	sshll.u32 @!p0 s4, $0x11;
	s6 =	sadd.s32 @!p0 $0x11B8D, s6;
	_ =	swait.eq @!p0 [sflag:s5], $0x1  }
0xb2: {  	s4 =	sor.u32 @!p0 s4, s6;
	[sflag:s5] =	ssyncadd.s32 @!p0 $0xFFFFFFFF  }
0xb3: {  	s25 =	simm.s32 $0x1B8E;
	s24 =	sld [smem:$0x3FFE];
	[sflag:s4] =	ssyncadd.remote.s32 @!p0 $0x1  }
0xb4: {  	s26 =	simm.s32 $execute0_lowered;
	[smem:$0x3FD2] =	sst s25  }
0xb5: {  	s5 =	sshll.u32 s26, $0x1;
	_ =	strace $0x80000049;
	[dreg:$0x1] =	wrdreg $0xFFFFFFFF  }
0xb6: {  	s28 =	simm.s32 $_size_execute0_lowered;
	s3 =	sadd.s32 s3, s5;
	[dreg:$0x0] =	wrdreg $0x0  }
0xb7: {  	s5 =	sshll.u32 s28, $0x1;
	[dreg:$0x2] =	wrdreg s3  }
0xb8: {  	[dreg:$0x3] =	wrdreg s5  }
0xb9: {  	[dreg:$0x4] =	wrdreg $0xC0  }
0xba: {  	_ =	task [dreg:s22], $0x5FFFF  }
0xbb: {  	[dreg:$0x1] =	wrdreg $0xFFFFFFFF  }
0xbc: {  	[dreg:$0x0] =	wrdreg $0x60  }
0xbd: {  	[dreg:$0x2] =	wrdreg s24  }
0xbe: {  	[dreg:$0x3] =	wrdreg $0xA  }
0xbf: {  	_ =	task.clear_ibuf [dreg:s22], $0x4FFFF;
	_ =	strace $0x90000049  }
0xc0: {  	s29 =	simm.s32 $0xA;
	_ =	strace $0x8000004B  }
0xc1: {  	_ =	swait.ge [sflag:s29], $0x1  }
0xc2: {  	[sflag:s29] =	ssyncadd.s32 $0xFFFFFFFF  }
0xc3: {  	_ =	strace $0x9000004B  }
0xc4: {  	_ =	sfence  }
0xc5: {  	s30 =	sld [smem:$0x0];
	_ =	sdelay $0x2  }
0xc6: {  	s31 =	sshll.u32 s1, $0xD;
	s1 =	sshrl.u32 s1, $0x2  }
0xc7: {  	s4 =	sand.u32 $0x4000, s31;
	s1 =	sadd.s32 s1, s30  }
0xc8: {  	s0 =	sor.u32 s4, s0;
	s1 =	sshll.u32 s1, $0x11  }
0xc9: {  	s0 =	sor.u32 s1, s0  }
0xca: {  	s0 =	sadd.s32 $0x8F2B, s0  }
0xcb: {  	[sflag:s0] =	ssyncadd.remote.s32 $0x1  }
0xcc: {  	_ =	sfence.sel $0xFFFF  }
0xcd: {  	[dreg:$0x0] =	wrdreg $0xFFFFFFFF;
	(pc) =	sbr.abs _section_cstart, $3  }
0xce: {  	[dreg:$0x1] =	wrdreg $0xFFFFFFFF  }
0xcf: {  	_ =	task.clear_ibuf [dreg:s22], $0x2FFFF;
	_ =	strace $0x9FFFFFFF  }
0xd0: {  	(tm) =	ssettm $0x7FFFFFFF  }
0xd1: {  	_ =	shalt  }
tec
execute0_lowered:
.L_overlay_start_1:
0x0: {  	(tag) =	ssettag $0x1  }
0x1: {  	s0 =	rddreg [dreg:$0x0];
	s2 =	simm.s32 $0x0  }
0x2: {  	s1 =	srdreg.scid;
	s3 =	stileid.u32;
	s8 =	simm.s32 $0x2  }
0x3: {  	s9 =	simm.s32 $0x80;
	s30 =	simm.s32 $0x5800;
	s31 =	simm.s32 $0xD00  }
0x4: {  	s10 =	simm.s32 $0xE00;
	s11 =	simm.s32 $0x7000;
	s12 =	simm.s32 $0xE80  }
0x5: {  	s13 =	simm.s32 $0x7800;
	s14 =	simm.s32 $0xF00;
	s15 =	simm.s32 $0x8000  }
0x6: {  	s16 =	simm.s32 $0xF80;
	s17 =	simm.s32 $0x8800;
	s18 =	simm.s32 $0x1  }
0x7: {  	s19 =	simm.s32 $0x9000;
	s21 =	simm.s32 $0x0;
	[smem:$0x7FF] =	sst s2  }
0x8: {  	s1 =	sand.u32 $0x1, s1;
	s4 =	sshll.u32 s3, $0x1;
	s3 =	sadd.s32 $0x27AE400, s0  }
0x9: {  	_ =	strace $0x8000004A;
	s5 =	sor.u32 s1, s4;
	s1 =	ssub.s32 $0x2, s1  }
0xa: {  	s4 =	sadd.s32 $0x2000, s0;
	s6 =	sshll.u32 s5, $0xE;
	s7 =	sshrl.u32 s1, $0x1  }
0xb: {  	v1 =	vlaneseq.u32;
	s5 =	sshll.u32 s5, $0x8;
	s0 =	sadd.s32 s6, s0;
	s1 =	ssub.s32 s1, s7  }
0xc: {  	v0 =	vshrl.u32 v1, $0x3;
	v1 =	vand.u32 $0x7, v1;
	s7 =	simm.s32 $0x6800;
	s6 =	sadd.s32 $0x92000, s0;
	s29 =	smax.u32 s1, $0x1  }
0xd: {  	v2 =	vmul.u32 $0x20, v0;
	v3 =	vadd.s32 $0xFFFFFFE6, v1;
	s0 =	simm.s32 $0x6000;
	s1 =	simm.s32 $0xD80;
	[dreg:$0x2] =	wrdreg s29  }
.LBB2_1:
0xe: {  	[dreg:$0x3] =	wrdreg s21;
	s20 =	simm.s32 $0x0  }
.LBB2_2:
0xf: {  	s21 =	simm.s32 $0x0;
	s22 =	simm.s32 $0x0  }
0x10: {  	s23 =	sand.u32 $0x6, s21;
	s22 =	sand.u32 $0x38, s22  }
0x11: {  	s22 =	sor.u32 s23, s22  }
0x12: {  	s26 =	sshll.u32 s20, $0x6;
	s24 =	sand.u32 $0x18, s21;
	v4 =	vmov s22  }
0x13: {  	s23 =	sadd.s32 s5, s26;
	v6 =	vor.u32 s24, v1;
	v4 =	vshll.u32 v4, $0x5  }
0x14: {  	s25 =	sshll.u32 s23, $0x2;
	v5 =	vmin.u32 v6, $0x19;
	v4 =	vor.u32 v2, v4  }
0x15: {  	s25 =	sadd.s32 s4, s25;
	v4 =	vor.u32 v5, v4  }
0x16: {  	[tilespmem:s21], [sflag:$0x2] =	stream.linear.gather [hbm4b:s25+s21], $0x800, $0x38;
	[tilespmem:$0x11000] =	vst v63  }
0x17: {  	_ =	swait.ge [sflag:s8], $0x800  }
0x18: {  	s26 =	simm.s32 $0x0;
	s25 =	simm.s32 $0x2;
	[sflag:s8] =	ssyncset.done $0x0  }
0x19: {  	s26 =	sand.u32 $0x38, s26;
	s29 =	sand.u32 $0x6, s25;
	[sflag:s8] =	ssyncadd.s32 $0xFFFFF800  }
0x1a: {  	v7 =	vld.idx.msk [tilespmem:v4+s2+$0x0], $0xffff;
	v4 =	vor.u32 s23, v0;
	s23 =	sor.u32 s29, s26  }
0x1b: {  	v5 =	vor.u32 s22, v4;
	v8 =	vmov s23;
	s22 =	sand.u32 $0x18, s25  }
0x1c: {  	v9 =	vmul.u32 $0x6, v5;
	v8 =	vshll.u32 v8, $0x5;
	v5 =	vor.u32 s22, v1  }
0x1d: {  	v63 =	vmin.u32 v5, $0x19;
	v8 =	vor.u32 v2, v8  }
0x1e: {  	v10 =	vmul.u32 $0x186A0, v6;
	vm0 =	vlt.u32 v6, $0x1A;
	v6 =	vor.u32 v63, v8  }
0x1f: {  	v9 =	vadd.s32 s24, v9  }
0x20: {  	s28 =	sand.u32 $0x7F0, s21;
	v7 =	vadd.s32 v10, v7;
	v9 =	vadd.s32 v3, v9  }
0x21: {  	s26 =	simm.s32 $0x1;
	s25 =	simm.s32 $0x3;
	s24 =	simm.s32 $0x4;
	v7 =	vsel vm0, v7, v9  }
.LBB2_3:
0x22: {  	p0 =	sne.s32 s25, $0x7F;
	s29 =	sand.u32 $0x6, s24;
	s26 =	sand.u32 $0x38, s26;
	[tilespmem:s28+$0x800] =	vst v7  }
0x23: {  	s26 =	sor.u32 s29, s26;
	v7 =	vld.idx.msk [tilespmem:v6+s2+$0x0], $0xffff  }
0x24: {  	s28 =	sand.u32 $0x18, s24;
	v6 =	vmov s26  }
0x25: {  	v9 =	vor.u32 s23, v4;
	v8 =	vor.u32 s28, v1;
	s23 =	smov.u32 s26;
	v6 =	vshll.u32 v6, $0x5  }
.Ltmp0:
0x26: {  	v9 =	vmul.u32 $0x6, v9;
	v10 =	vmin.u32 v8, $0x19;
	v6 =	vor.u32 v2, v6;
	(pc) =	sbr.rel @p0 .LBB2_3-.Ltmp0, $4  }
0x27: {  	v6 =	vor.u32 v10, v6;
	v10 =	vmul.u32 $0x186A0, v5  }
0x28: {  	v9 =	vadd.s32 s22, v9;
	s22 =	smov.u32 s28  }
0x29: {  	s24 =	sadd.s32 $0x2, s24;
	vm0 =	vlt.u32 v5, $0x1A;
	s21 =	sadd.s32 $0x10, s21;
	v9 =	vadd.s32 v3, v9;
	v5 =	vmovc v8;
	v7 =	vadd.s32 v10, v7  }
0x2a: {  	s26 =	sshrl.u32 s25, $0x1;
	s25 =	sadd.s32 $0x1, s25;
	s28 =	sand.u32 $0x7F0, s21;
	v7 =	vsel vm0, v7, v9  }
0x2b: {  	_ =	sdelay $0x1  }
0x2c: {  	s25 =	sand.u32 $0x6, s24;
	s26 =	sand.u32 $0x38, s26  }
0x2d: {  	[tilespmem:s28+$0x800] =	vst v7;
	s25 =	sor.u32 s25, s26  }
0x2e: {  	s28 =	sand.u32 $0x18, s24;
	v6 =	vld.idx.msk [tilespmem:v6+s2+$0x0], $0xffff;
	v7 =	vmov s25  }
0x2f: {  	v8 =	vor.u32 s23, v4;
	v9 =	vor.u32 s28, v1;
	v7 =	vshll.u32 v7, $0x5  }
0x30: {  	v8 =	vmul.u32 $0x6, v8;
	v10 =	vmin.u32 v9, $0x19;
	v7 =	vor.u32 v2, v7  }
0x31: {  	v7 =	vor.u32 v10, v7;
	v10 =	vmul.u32 $0x186A0, v5  }
0x32: {  	v8 =	vadd.s32 s22, v8  }
0x33: {  	vm0 =	vlt.u32 v5, $0x1A;
	s21 =	sadd.s32 $0x10, s21;
	v5 =	vadd.s32 v10, v6;
	v6 =	vadd.s32 v3, v8  }
0x34: {  	s29 =	sand.u32 $0x7F0, s21;
	v5 =	vsel vm0, v5, v6  }
0x35: {  	[tilespmem:s29+$0x800] =	vst v5  }
0x36: {  	v5 =	vld.idx.msk [tilespmem:v7+s2+$0x0], $0xffff  }
0x37: {  	v4 =	vor.u32 s25, v4  }
0x38: {  	v4 =	vmul.u32 $0x6, v4  }
0x39: {  	v6 =	vmul.u32 $0x186A0, v9  }
0x3a: {  	v4 =	vadd.s32 s28, v4  }
0x3b: {  	s21 =	sadd.s32 $0x10, s21;
	vm15 =	vlt.u32 v9, $0x1A;
	v4 =	vadd.s32 v3, v4;
	v5 =	vadd.s32 v6, v5  }
0x3c: {  	s21 =	sand.u32 $0x7F0, s21;
	v4 =	vsel vm15, v5, v4  }
0x3d: {  	s23 =	simm.s32 $0x800;
	s24 =	simm.s32 $0x1000;
	[tilespmem:s21+$0x800] =	vst v4  }
0x3e: {  	[tilespmem:s24], [sflag:$0x1] =	stream.indirect.gather [hbm4b:s3+s9], $0x10, s23, s9, $0xb8;
	[tilespmem:$0x11000] =	vst v63  }
0x3f: {  	s26 =	simm.s32 $0x1800;
	s25 =	simm.s32 $0x880  }
0x40: {  	[tilespmem:s26], [sflag:$0x1] =	stream.indirect.gather [hbm4b:s3+s9], $0x10, s25, s9, $0xb8;
	[tilespmem:$0x11000] =	vst v63  }
0x41: {  	s28 =	simm.s32 $0x900;
	s29 =	simm.s32 $0x2000  }
0x42: {  	[tilespmem:s29], [sflag:$0x1] =	stream.indirect.gather [hbm4b:s3+s9], $0x10, s28, s9, $0xb8;
	[tilespmem:$0x11000] =	vst v63  }
0x43: {  	s23 =	simm.s32 $0x980;
	s24 =	simm.s32 $0x2800  }
0x44: {  	[tilespmem:s24], [sflag:$0x1] =	stream.indirect.gather [hbm4b:s3+s9], $0x10, s23, s9, $0xb8;
	[tilespmem:$0x11000] =	vst v63  }
0x45: {  	s25 =	simm.s32 $0xA00;
	s26 =	simm.s32 $0x3000  }
0x46: {  	[tilespmem:s26], [sflag:$0x1] =	stream.indirect.gather [hbm4b:s3+s9], $0x10, s25, s9, $0xb8;
	[tilespmem:$0x11000] =	vst v63  }
0x47: {  	s28 =	simm.s32 $0xA80;
	s29 =	simm.s32 $0x3800  }
0x48: {  	[tilespmem:s29], [sflag:$0x1] =	stream.indirect.gather [hbm4b:s3+s9], $0x10, s28, s9, $0xb8;
	[tilespmem:$0x11000] =	vst v63  }
0x49: {  	s22 =	simm.s32 $0xB00;
	s23 =	simm.s32 $0x4000  }
0x4a: {  	[tilespmem:s23], [sflag:$0x1] =	stream.indirect.gather [hbm4b:s3+s9], $0x10, s22, s9, $0xb8;
	[tilespmem:$0x11000] =	vst v63  }
0x4b: {  	s24 =	simm.s32 $0xB80;
	s25 =	simm.s32 $0x4800  }
0x4c: {  	[tilespmem:s25], [sflag:$0x1] =	stream.indirect.gather [hbm4b:s3+s9], $0x10, s24, s9, $0xb8;
	[tilespmem:$0x11000] =	vst v63  }
0x4d: {  	s26 =	simm.s32 $0xC00;
	s28 =	simm.s32 $0x5000  }
0x4e: {  	[tilespmem:s28], [sflag:$0x1] =	stream.indirect.gather [hbm4b:s3+s9], $0x10, s26, s9, $0xb8;
	[tilespmem:$0x11000] =	vst v63  }
0x4f: {  	s29 =	simm.s32 $0xC80  }
0x50: {  	[tilespmem:s30], [sflag:$0x1] =	stream.indirect.gather [hbm4b:s3+s9], $0x10, s29, s9, $0xb8;
	[tilespmem:$0x11000] =	vst v63  }
0x51: {  	_ = 	snop  }
0x52: {  	[tilespmem:s0], [sflag:$0x1] =	stream.indirect.gather [hbm4b:s3+s9], $0x10, s31, s9, $0xb8;
	[tilespmem:$0x11000] =	vst v63  }
0x53: {  	_ = 	snop  }
0x54: {  	[tilespmem:s7], [sflag:$0x1] =	stream.indirect.gather [hbm4b:s3+s9], $0x10, s1, s9, $0xb8;
	[tilespmem:$0x11000] =	vst v63  }
0x55: {  	_ = 	snop  }
0x56: {  	[tilespmem:s11], [sflag:$0x1] =	stream.indirect.gather [hbm4b:s3+s9], $0x10, s10, s9, $0xb8;
	[tilespmem:$0x11000] =	vst v63  }
0x57: {  	_ = 	snop  }
0x58: {  	[tilespmem:s13], [sflag:$0x1] =	stream.indirect.gather [hbm4b:s3+s9], $0x10, s12, s9, $0xb8;
	[tilespmem:$0x11000] =	vst v63  }
0x59: {  	_ = 	snop  }
0x5a: {  	[tilespmem:s15], [sflag:$0x1] =	stream.indirect.gather [hbm4b:s3+s9], $0x10, s14, s9, $0xb8;
	[tilespmem:$0x11000] =	vst v63  }
0x5b: {  	_ = 	snop  }
0x5c: {  	[tilespmem:s17], [sflag:$0x1] =	stream.indirect.gather [hbm4b:s3+s9], $0x10, s16, s9, $0xb8;
	[tilespmem:$0x11000] =	vst v63  }
0x5d: {  	_ =	swait.ge [sflag:s18], $0x800  }
0x5e: {  	[sflag:s18] =	ssyncset.done $0x0  }
0x5f: {  	[sflag:s18] =	ssyncadd.s32 $0xFFFFF800  }
0x60: {  	_ =	swait.ge [sflag:s18], $0x800  }
0x61: {  	[sflag:s18] =	ssyncset.done $0x0  }
0x62: {  	[sflag:s18] =	ssyncadd.s32 $0xFFFFF800  }
0x63: {  	_ =	swait.ge [sflag:s18], $0x800  }
0x64: {  	[sflag:s18] =	ssyncset.done $0x0  }
0x65: {  	[sflag:s18] =	ssyncadd.s32 $0xFFFFF800  }
0x66: {  	_ =	swait.ge [sflag:s18], $0x800  }
0x67: {  	[sflag:s18] =	ssyncset.done $0x0  }
0x68: {  	[sflag:s18] =	ssyncadd.s32 $0xFFFFF800  }
0x69: {  	_ =	swait.ge [sflag:s18], $0x800  }
0x6a: {  	[sflag:s18] =	ssyncset.done $0x0  }
0x6b: {  	[sflag:s18] =	ssyncadd.s32 $0xFFFFF800  }
0x6c: {  	_ =	swait.ge [sflag:s18], $0x800  }
0x6d: {  	[sflag:s18] =	ssyncset.done $0x0  }
0x6e: {  	[sflag:s18] =	ssyncadd.s32 $0xFFFFF800  }
0x6f: {  	_ =	swait.ge [sflag:s18], $0x800  }
0x70: {  	[sflag:s18] =	ssyncset.done $0x0  }
0x71: {  	[sflag:s18] =	ssyncadd.s32 $0xFFFFF800  }
0x72: {  	_ =	swait.ge [sflag:s18], $0x800  }
0x73: {  	[sflag:s18] =	ssyncset.done $0x0  }
0x74: {  	[sflag:s18] =	ssyncadd.s32 $0xFFFFF800  }
0x75: {  	_ =	swait.ge [sflag:s18], $0x800  }
0x76: {  	[sflag:s18] =	ssyncset.done $0x0  }
0x77: {  	[sflag:s18] =	ssyncadd.s32 $0xFFFFF800  }
0x78: {  	_ =	swait.ge [sflag:s18], $0x800  }
0x79: {  	[sflag:s18] =	ssyncset.done $0x0  }
0x7a: {  	[sflag:s18] =	ssyncadd.s32 $0xFFFFF800  }
0x7b: {  	_ =	swait.ge [sflag:s18], $0x800  }
0x7c: {  	[sflag:s18] =	ssyncset.done $0x0  }
0x7d: {  	[sflag:s18] =	ssyncadd.s32 $0xFFFFF800  }
0x7e: {  	_ =	swait.ge [sflag:s18], $0x800  }
0x7f: {  	[sflag:s18] =	ssyncset.done $0x0  }
0x80: {  	[sflag:s18] =	ssyncadd.s32 $0xFFFFF800  }
0x81: {  	_ =	swait.ge [sflag:s18], $0x800  }
0x82: {  	[sflag:s18] =	ssyncset.done $0x0  }
0x83: {  	[sflag:s18] =	ssyncadd.s32 $0xFFFFF800  }
0x84: {  	_ =	swait.ge [sflag:s18], $0x800  }
0x85: {  	[sflag:s18] =	ssyncset.done $0x0  }
0x86: {  	[sflag:s18] =	ssyncadd.s32 $0xFFFFF800  }
0x87: {  	_ =	swait.ge [sflag:s18], $0x800  }
0x88: {  	[sflag:s18] =	ssyncset.done $0x0  }
0x89: {  	[sflag:s18] =	ssyncadd.s32 $0xFFFFF800  }
0x8a: {  	_ =	swait.ge [sflag:s18], $0x800  }
0x8b: {  	[sflag:s18] =	ssyncset.done $0x0  }
0x8c: {  	s21 =	simm.s32 $0x0;
	[sflag:s18] =	ssyncadd.s32 $0xFFFFF800  }
0x8d: {  	v7 =	vld [tilespmem:s21+$0x1070]  }
0x8e: {  	v8 =	vld [tilespmem:s21+$0x1000]  }
0x8f: {  	v9 =	vld [tilespmem:s21+$0x1010]  }
0x90: {  	v6 =	vld [tilespmem:s21+$0x1020]  }
0x91: {  	v4 =	vld [tilespmem:s21+$0x1030]  }
0x92: {  	v5 =	vld [tilespmem:s21+$0x1040];
	[tilespmem:s21+$0x9070] =	vst v7  }
0x93: {  	[tilespmem:s21+$0x9000] =	vst v8;
	v7 =	vld [tilespmem:s21+$0x1050]  }
0x94: {  	s22 =	simm.s32 $0x80;
	s23 =	simm.s32 $0x400;
	[tilespmem:s21+$0x9010] =	vst v9;
	v8 =	vld [tilespmem:s21+$0x1060]  }
.LBB2_5:
0x95: {  	p0 =	sne.s32 s23, $0x1FE00;
	v9 =	vld [tilespmem:s22+$0x1070];
	[tilespmem:s21+$0x9020] =	vst v6  }
0x96: {  	v10 =	vld [tilespmem:s22+$0x1000];
	[tilespmem:s21+$0x9030] =	vst v4  }
0x97: {  	v11 =	vld [tilespmem:s22+$0x1010];
	[tilespmem:s21+$0x9040] =	vst v5  }
.Ltmp1:
0x98: {  	v6 =	vld [tilespmem:s22+$0x1020];
	[tilespmem:s21+$0x9050] =	vst v7;
	(pc) =	sbr.rel @p0 .LBB2_5-.Ltmp1, $4  }
0x99: {  	v4 =	vld [tilespmem:s22+$0x1030];
	[tilespmem:s21+$0x9060] =	vst v8;
	s21 =	smov.u32 s22  }
0x9a: {  	v5 =	vld [tilespmem:s21+$0x1040];
	[tilespmem:s21+$0x9070] =	vst v9  }
0x9b: {  	[tilespmem:s21+$0x9000] =	vst v10;
	v7 =	vld [tilespmem:s21+$0x1050]  }
0x9c: {  	s22 =	sshra.s32 s23, $0x2;
	s23 =	sadd.s32 $0x200, s23;
	[tilespmem:s21+$0x9010] =	vst v11;
	v8 =	vld [tilespmem:s21+$0x1060]  }
0x9d: {  	v9 =	vld [tilespmem:s22+$0x1070];
	[tilespmem:s21+$0x9020] =	vst v6  }
0x9e: {  	v6 =	vld [tilespmem:s22+$0x1000];
	[tilespmem:s21+$0x9030] =	vst v4  }
0x9f: {  	v4 =	vld [tilespmem:s22+$0x1010];
	[tilespmem:s21+$0x9040] =	vst v5  }
0xa0: {  	v5 =	vld [tilespmem:s22+$0x1020];
	[tilespmem:s21+$0x9050] =	vst v7  }
0xa1: {  	v7 =	vld [tilespmem:s22+$0x1030];
	[tilespmem:s21+$0x9060] =	vst v8  }
0xa2: {  	v8 =	vld [tilespmem:s22+$0x1040];
	[tilespmem:s22+$0x9070] =	vst v9  }
0xa3: {  	v63 =	vld [tilespmem:s22+$0x1050];
	[tilespmem:s22+$0x9000] =	vst v6  }
0xa4: {  	[tilespmem:s22+$0x9010] =	vst v4;
	v4 =	vld [tilespmem:s22+$0x1060]  }
0xa5: {  	[tilespmem:s22+$0x9020] =	vst v5  }
0xa6: {  	[tilespmem:s22+$0x9030] =	vst v7  }
0xa7: {  	s29 =	sshll.u32 s20, $0xC;
	s20 =	sadd.s32 $0x1, s20;
	[tilespmem:s22+$0x9040] =	vst v8  }
0xa8: {  	p0 =	sne.s32 s20, $0x4;
	[tilespmem:s22+$0x9050] =	vst v63  }
.Ltmp2:
0xa9: {  	s21 =	sadd.s32 s29, s6;
	[tilespmem:s22+$0x9060] =	vst v4;
	(pc) =	sbr.rel @p0 .LBB2_2-.Ltmp2, $4  }
0xaa: {  	[hbm4b:s21+s2] =	stream.linear.scatter [tilespmem:s19], [sflag:$0x2], $0x8000, $0x38;
	[tilespmem:$0x11000] =	vst v63  }
0xab: {  	_ =	swait.ge [sflag:s8], $0x8000  }
0xac: {  	[sflag:s8] =	ssyncset.done $0x0  }
0xad: {  	[sflag:s8] =	ssyncadd.s32 $0xFFFF8000  }
0xae: {  	s21 =	rddreg [dreg:$0x3]  }
0xaf: {  	s20 =	rddreg [dreg:$0x2];
	s21 =	sadd.s32 $0x1, s21  }
0xb0: {  	p0 =	sne.s32 s21, s20  }
.Ltmp3:
0xb1: {  	_ = 	snop;
	(pc) =	sbr.rel @p0 .LBB2_1-.Ltmp3, $1  }
0xb2: {  	_ =	sdelay $0x3  }
0xb3: {  	_ =	sfence.sel $0x180000  }
0xb4: {  	[bflag:$0x0] =	sbarrier.arrive $0xFFFF  }
0xb5: {  	_ =	strace $0x9000004A  }
0xb6: {  	s0 =	stileid.u32;
	[bflag:$0x2] =	sbarrier.arrive $0xFFFF  }
0xb7: {  	p0 =	sne.s32 s0, $0x0;
	s0 =	rddreg [dreg:$0x1]  }
0xb8: {  	s0 =	sadd.s32 @!p0 $0x100000, s0  }
0xb9: {  	[sflag:s0] =	ssyncadd.tile.s32 @!p0 $0x1;
	_ =	shalt  }
.Lfunc_end2:
_tile_overlayer_lowered:
.L_overlay_start_2:
0xba: {  	(tag) =	ssettag $0x2  }
0xbb: {  	s0 =	rddreg [dreg:$0x0];
	s2 =	stileid.u32  }
0xbc: {  	s1 =	rddreg [dreg:$0x1];
	p0 =	sne.s32 s2, $0x0  }
0xbd: {  	s3 =	rddreg [dreg:$0x2];
	[bflag:$0x3] =	sbarrier.arrive $0xFFFF;
	s2 =	simm.s32 @!p0 $0x1C02  }
0xbe: {  	[timem:s3], [sflag:s2] =	dma.local @!p0 [hbm:s0], s1  }
0xbf: {  	s0 =	simm.s32 @!p0 $0x2  }
0xc0: {  	_ =	swait.ge @!p0 [sflag:s0], s1  }
0xc1: {  	s1 =	ssub.s32 @!p0 $0x0, s1;
	[sflag:s0] =	ssyncset.done @!p0 $0x0  }
0xc2: {  	[sflag:s0] =	ssyncadd.s32 @!p0 s1  }
0xc3: {  	[bflag:$0x3] =	sbarrier.arrive $0xFFFF  }
0xc4: {  	_ =	shalt  }

</sc_bundles>
